<compile_context>
chip_gen: v7x
topology: tpu7x:2x2x1
jax: 0.10.2.dev20260603
libtpu: 0.0.44.dev20260713+nightly
codegen_flags: <defaults>
</compile_context>

<pallas_src>
import functools

import numpy as np
import jax
import jax.numpy as jnp
from jax import lax
from jax.experimental import pallas as pl
from jax.experimental.pallas import tpu as pltpu
from jax.experimental.pallas import tpu_sc as plsc

_AUDIO_TOKEN_ID = 32000
_D = 4096
_B = 4
_S = 2048
_NF = 10
_TA = 249
_AC = 1024
_OUT_S = _S + _NF - 1
_ROWS = _B * _OUT_S
_PAIRS = _B * _S

_NC, _NS = 2, 16
_NW = _NC * _NS
_K = 8
_NCH = _PAIRS // (_NW * _K)



def _mlp_body(ac_ref, w1_ref, b1_ref, w2_ref, b2_ref, out_ref, h_ref):
    j = pl.program_id(0)

    @pl.when(j == 0)
    def _first():
        pos = np.arange(_NF, dtype=np.float32) * np.float32(
            (_TA - 1) / (_NF - 1))
        lo = np.floor(pos).astype(np.int32)
        hi = np.minimum(lo + 1, _TA - 1)
        frac = (pos - lo.astype(np.float32)).astype(np.float32)
        rows = []
        for k in range(_NF):
            r = (ac_ref[:, int(lo[k]), :] * (1.0 - float(frac[k]))
                 + ac_ref[:, int(hi[k]), :] * float(frac[k]))
            rows.append(r)
        acx = jnp.concatenate(rows, axis=0)
        h = jnp.dot(acx, w1_ref[...],
                    preferred_element_type=jnp.float32) + b1_ref[...]
        h_ref[...] = h * (1.0 / (1.0 + jnp.exp(-h)))

    out_ref[...] = jnp.dot(h_ref[...], w2_ref[...],
                           preferred_element_type=jnp.float32) + b2_ref[...]


def _audio_mlp(acoustic_hidden, W1, b1, W2, b2):
    ncol = 8
    blk = _D // ncol
    return pl.pallas_call(
        _mlp_body,
        grid=(ncol,),
        in_specs=[
            pl.BlockSpec((_B, _TA, _AC), lambda j: (0, 0, 0)),
            pl.BlockSpec((_AC, _D), lambda j: (0, 0)),
            pl.BlockSpec((1, _D), lambda j: (0, 0)),
            pl.BlockSpec((_D, blk), lambda j: (0, j)),
            pl.BlockSpec((1, blk), lambda j: (0, j)),
        ],
        out_specs=pl.BlockSpec((_NF * _B, blk), lambda j: (0, j)),
        out_shape=jax.ShapeDtypeStruct((_NF * _B, _D), jnp.float32),
        scratch_shapes=[pltpu.VMEM((_NF * _B, _D), jnp.float32)],
    )(acoustic_hidden, W1, b1.reshape(1, _D), W2, b2.reshape(1, _D))



def _sc_merge(embed_table, audio_rows, src_ids, dst_ids, a_src, a_dst):
    mesh = plsc.VectorSubcoreMesh(core_axis_name="c", subcore_axis_name="s")

    @functools.partial(
        pl.kernel,
        mesh=mesh,
        out_type=jax.ShapeDtypeStruct((_ROWS, _D), jnp.float32),
        scratch_types=[
            pltpu.VMEM((_NCH, _K), jnp.int32),
            pltpu.VMEM((_NCH, _K), jnp.int32),
            pltpu.VMEM((2, _K), jnp.int32),
            pltpu.VMEM((2, _K), jnp.int32),
            pltpu.VMEM((_K, _D), jnp.float32),
            pltpu.SemaphoreType.DMA,
            pltpu.SemaphoreType.DMA,
        ],
    )
    def merge(table_hbm, audio_hbm, src_hbm, dst_hbm, asrc_hbm, adst_hbm,
              out_hbm, src_v, dst_v, asrc_v, adst_v, buf, sem_g, sem_s):
        wid = lax.axis_index("s") * _NC + lax.axis_index("c")
        pltpu.sync_copy(src_hbm.at[wid], src_v)
        pltpu.sync_copy(dst_hbm.at[wid], dst_v)

        def chunk(c, carry):
            pltpu.async_copy(table_hbm.at[src_v.at[c]], buf, sem_g).wait()
            pltpu.async_copy(buf, out_hbm.at[dst_v.at[c]], sem_s).wait()
            return carry

        lax.fori_loop(0, _NCH, chunk, 0)

        @pl.when(wid < _B)
        def _audio():
            pltpu.sync_copy(asrc_hbm.at[wid], asrc_v)
            pltpu.sync_copy(adst_hbm.at[wid], adst_v)

            def achunk(c, carry):
                pltpu.async_copy(audio_hbm.at[asrc_v.at[c]], buf,
                                 sem_g).wait()
                pltpu.async_copy(buf, out_hbm.at[adst_v.at[c]],
                                 sem_s).wait()
                return carry

            lax.fori_loop(0, 2, achunk, 0)

    return merge(embed_table, audio_rows, src_ids, dst_ids, a_src, a_dst)



def kernel(input_ids, attention_mask, acoustic_hidden, embed_table,
           W1, b1, W2, b2):
    p = jnp.argmax(input_ids == _AUDIO_TOKEN_ID, axis=1).astype(jnp.int32)
    i = jnp.arange(_S, dtype=jnp.int32)[None, :]
    pc = p[:, None]
    dst_local = i + jnp.where(i > pc, 9, 0)
    is_audio = i == pc
    dup = jnp.where(p == 0, 1, 0).astype(jnp.int32)[:, None]
    dup_tok = jnp.take_along_axis(input_ids, dup, axis=1)
    src_tok = jnp.where(is_audio, dup_tok, input_ids)
    dst_local = jnp.where(is_audio, dup + jnp.where(dup > pc, 9, 0),
                          dst_local)
    base = (jnp.arange(_B, dtype=jnp.int32) * _OUT_S)[:, None]
    dst_rows = dst_local + base
    src_ids = src_tok.astype(jnp.int32).reshape(_NW, _NCH, _K)
    dst_ids = dst_rows.astype(jnp.int32).reshape(_NW, _NCH, _K)

    k16 = jnp.minimum(jnp.arange(2 * _K, dtype=jnp.int32), _NF - 1)[None, :]
    bidx = jnp.arange(_B, dtype=jnp.int32)[:, None]
    a_src = (k16 * _B + bidx).reshape(_B, 2, _K)
    a_dst = (bidx * _OUT_S + p[:, None] + k16).reshape(_B, 2, _K)

    audio_rows = _audio_mlp(acoustic_hidden, W1, b1, W2, b2)

    flat = _sc_merge(embed_table, audio_rows, src_ids, dst_ids, a_src, a_dst)
    final_embedding = flat.reshape(_B, _OUT_S, _D)

    am = attention_mask.astype(jnp.int32)
    dup_am = jnp.take_along_axis(am, dup, axis=1)
    am_vals = jnp.where(is_audio, dup_am, am)
    fam = jnp.zeros((_B, _OUT_S), jnp.int32)
    fam = fam.at[bidx, dst_local].set(am_vals)
    audio_pos = p[:, None] + jnp.arange(_NF, dtype=jnp.int32)[None, :]
    fam = fam.at[bidx, audio_pos].set(1)
    position_ids = jnp.cumsum(fam, axis=-1) - 1
    position_ids = jnp.where(fam == 0, 1, position_ids).astype(jnp.int32)
    return final_embedding, fam, position_ids

# --- scband reference (transcript-rebuilt; emitter-appended) ---
"""Pipeline reference for scband-mm-llama-33612414058602 (READ-ONLY COPY).

The authoritative reference and input builder live on the scoring server;
editing this copy changes nothing except your own understanding.
"""

import jax, jax.numpy as jnp
import numpy as np

AUDIO_TOKEN_ID = 32000
PAD_TOKEN_ID = 32001
VOCAB = 32008
D_MODEL = 4096
AC_DIM = 1024
NUM_AUDIO_FRAMES = 10
B, S, T_A = 4, 2048, 249


def interpolate_temporal_features(x, num):
    # F.interpolate(mode='linear', align_corners=True) over the time axis of [B, T, C]
    T = x.shape[1]
    pos = jnp.arange(num, dtype=jnp.float32) * (T - 1) / (num - 1)
    lo = jnp.floor(pos).astype(jnp.int32)
    hi = jnp.minimum(lo + 1, T - 1)
    frac = (pos - lo.astype(jnp.float32))[None, :, None]
    return x[:, lo, :] * (1.0 - frac) + x[:, hi, :] * frac


def setup_inputs(seed: int = 0) -> dict:
    key = jax.random.key(seed)
    ks = jax.random.split(key, 8)
    input_ids = jax.random.randint(ks[0], (B, S), 0, 32000, dtype=jnp.int32)
    # exactly one audio placeholder token per sequence, no pad tokens (-> left_padding branch, nb_audio_pad == 0)
    input_ids = input_ids.at[:, 100].set(AUDIO_TOKEN_ID)
    attention_mask = jnp.ones((B, S), dtype=jnp.int32)
    acoustic_hidden = jax.random.normal(ks[1], (B, T_A, AC_DIM), dtype=jnp.float32)
    embed_table = jax.random.normal(ks[2], (VOCAB, D_MODEL), dtype=jnp.float32) * 0.02
    W1 = jax.random.normal(ks[3], (AC_DIM, D_MODEL), dtype=jnp.float32) * 0.02
    b1 = jnp.zeros((D_MODEL,), dtype=jnp.float32)
    W2 = jax.random.normal(ks[4], (D_MODEL, D_MODEL), dtype=jnp.float32) * 0.02
    b2 = jnp.zeros((D_MODEL,), dtype=jnp.float32)
    return {"input_ids": input_ids, "attention_mask": attention_mask, "acoustic_hidden": acoustic_hidden,
            "embed_table": embed_table, "W1": W1, "b1": b1, "W2": W2, "b2": b2}


def _merge_modalities(audio_features, inputs_embeds, input_ids, input_attention_mask):
    bsz, audio_length, embed_dim = audio_features.shape
    seq_len = input_ids.shape[1]
    max_embed_dim = audio_length - 1 + seq_len
    special_audio_token_mask = input_ids == AUDIO_TOKEN_ID
    non_audio_mask = jnp.logical_not(special_audio_token_mask)
    # exactly one audio token per row -> (seq_len - 1) non-audio positions per row
    batch_indices, non_audio_indices = jnp.nonzero(non_audio_mask, size=bsz * (seq_len - 1))
    new_token_positions = jnp.cumsum(special_audio_token_mask.astype(jnp.int32) * (audio_length - 1) + 1, axis=-1) - 1
    nb_audio_pad = max_embed_dim - 1 - new_token_positions[:, -1]
    # left_padding = True (no pad token in last column); nb_audio_pad == 0 here
    new_token_positions = new_token_positions + nb_audio_pad[:, None]
    text_to_overwrite = new_token_positions[batch_indices, non_audio_indices]
    final_embedding = jnp.zeros((bsz, max_embed_dim, embed_dim), dtype=inputs_embeds.dtype)
    final_embedding = final_embedding.at[batch_indices, text_to_overwrite].set(
        inputs_embeds[batch_indices, non_audio_indices])
    final_attention_mask = jnp.zeros((bsz, max_embed_dim), dtype=input_attention_mask.dtype)
    final_attention_mask = final_attention_mask.at[batch_indices, text_to_overwrite].set(
        input_attention_mask[batch_indices, non_audio_indices])
    audio_to_overwrite = jnp.ones((bsz, max_embed_dim), dtype=bool)
    audio_to_overwrite = audio_to_overwrite.at[batch_indices, text_to_overwrite].set(False)
    audio_to_overwrite = audio_to_overwrite & (
        jnp.cumsum(audio_to_overwrite.astype(jnp.int32), axis=-1) - 1 >= nb_audio_pad[:, None])
    b_a, p_a = jnp.nonzero(audio_to_overwrite, size=bsz * audio_length)
    final_embedding = final_embedding.at[b_a, p_a].set(audio_features.reshape(-1, embed_dim))
    final_attention_mask = final_attention_mask | audio_to_overwrite.astype(final_attention_mask.dtype)
    position_ids = jnp.cumsum(final_attention_mask, axis=-1) - 1
    position_ids = jnp.where(final_attention_mask == 0, 1, position_ids)
    # original also zeroes embeddings at pad-token positions; there are no pad tokens here
    return final_embedding, final_attention_mask, position_ids


def reference(input_ids, attention_mask, acoustic_hidden, embed_table, W1, b1, W2, b2):
    text_embeddings = jnp.take(embed_table, input_ids, axis=0)
    ac = jax.lax.stop_gradient(acoustic_hidden)  # .detach() in original
    ac = interpolate_temporal_features(ac, NUM_AUDIO_FRAMES)
    h = ac @ W1 + b1
    h = h * jax.nn.sigmoid(h)  # SiLU
    audio_embeddings = h @ W2 + b2
    return _merge_modalities(audio_embeddings, text_embeddings, input_ids, attention_mask)

if __name__ == "__main__":
    import jax
    _d = setup_inputs()
    print(jax.jit(kernel)(*tuple(_d.values())))

</pallas_src>

<mosaic_0001>
#map = affine_map<(d0, d1) -> (0, 0)>
#map1 = affine_map<(d0, d1) -> (0, 0, 0)>
module attributes {stable_mosaic.version = 14 : i64} {
  func.func @merge(%arg0: i32, %arg1: i32, %arg2: memref<32008x4096xf32, #tpu.memory_space<hbm>>, %arg3: memref<40x4096xf32, #tpu.memory_space<hbm>>, %arg4: memref<32x32x8xi32, #tpu.memory_space<hbm>>, %arg5: memref<32x32x8xi32, #tpu.memory_space<hbm>>, %arg6: memref<4x2x8xi32, #tpu.memory_space<hbm>>, %arg7: memref<4x2x8xi32, #tpu.memory_space<hbm>>, %arg8: memref<8228x4096xf32, #tpu.memory_space<hbm>>, %arg9: memref<32x8xi32, #tpu.memory_space<vmem>>, %arg10: memref<32x8xi32, #tpu.memory_space<vmem>>, %arg11: memref<2x8xi32, #tpu.memory_space<vmem>>, %arg12: memref<2x8xi32, #tpu.memory_space<vmem>>, %arg13: memref<8x4096xf32, #tpu.memory_space<vmem>>, %arg14: memref<!tpu.dma_semaphore, #tpu.memory_space<semaphore_mem>>, %arg15: memref<!tpu.dma_semaphore, #tpu.memory_space<semaphore_mem>>) attributes {dimension_semantics = [#tpu.dimension_semantics<core_parallel>, #tpu.dimension_semantics<subcore_parallel>], iteration_bounds = array<i64: 2, 16>, scalar_prefetch = 0 : i64, scratch_operands = 7 : i64, tpu.core_type = #tpu.core_type<sc_vector_subcore>, window_params = [{transform_indices = #map}, {transform_indices = #map}, {transform_indices = #map1}, {transform_indices = #map1}, {transform_indices = #map1}, {transform_indices = #map1}, {transform_indices = #map}]} {
    %mul3A = arith.constant 2 : i32
    %mul3A_0 = arith.muli %arg1, %mul3A : i32
    %add3A = arith.addi %mul3A_0, %arg0 : i32
    "tpu.region"() ({
      %run_scoped3A = tpu.sem_alloc : memref<!tpu.dma_semaphore, #tpu.memory_space<semaphore_mem>>
      %dma_start3A = arith.constant 0 : i32
      %dma_start3A_8 = arith.constant 0 : i32
      %dma_start3A_9 = tpu.memref_slice %arg4[%add3A, %dma_start3A, %dma_start3A_8] : memref<32x32x8xi32, #tpu.memory_space<hbm>> -> memref<1x32x8xi32, #tpu.memory_space<hbm>>
      %dma_start3A_10 = tpu.memref_squeeze %dma_start3A_9 : memref<1x32x8xi32, #tpu.memory_space<hbm>> -> memref<32x8xi32, #tpu.memory_space<hbm>>
      %dma_start3A_11 = arith.constant 0 : i32
      %dma_start3A_12 = arith.constant 0 : i32
      %dma_start3A_13 = tpu.memref_slice %arg4[%add3A, %dma_start3A_11, %dma_start3A_12] : memref<32x32x8xi32, #tpu.memory_space<hbm>> -> memref<1x32x8xi32, #tpu.memory_space<hbm>>
      %dma_start3A_14 = tpu.memref_squeeze %dma_start3A_13 : memref<1x32x8xi32, #tpu.memory_space<hbm>> -> memref<32x8xi32, #tpu.memory_space<hbm>>
      tpu.enqueue_dma source(%dma_start3A_14 : memref<32x8xi32, #tpu.memory_space<hbm>>) target(%arg9 : memref<32x8xi32, #tpu.memory_space<vmem>>) target_semaphore(%run_scoped3A : memref<!tpu.dma_semaphore, #tpu.memory_space<semaphore_mem>>)
      %dma_wait3A = arith.constant 0 : i32
      %dma_wait3A_15 = arith.constant 0 : i32
      %dma_wait3A_16 = tpu.memref_slice %arg4[%add3A, %dma_wait3A, %dma_wait3A_15] : memref<32x32x8xi32, #tpu.memory_space<hbm>> -> memref<1x32x8xi32, #tpu.memory_space<hbm>>
      %dma_wait3A_17 = tpu.memref_squeeze %dma_wait3A_16 : memref<1x32x8xi32, #tpu.memory_space<hbm>> -> memref<32x8xi32, #tpu.memory_space<hbm>>
      %dma_wait3A_18 = arith.constant 0 : i32
      %dma_wait3A_19 = arith.constant 0 : i32
      %dma_wait3A_20 = tpu.memref_slice %arg4[%add3A, %dma_wait3A_18, %dma_wait3A_19] : memref<32x32x8xi32, #tpu.memory_space<hbm>> -> memref<1x32x8xi32, #tpu.memory_space<hbm>>
      %dma_wait3A_21 = tpu.memref_squeeze %dma_wait3A_20 : memref<1x32x8xi32, #tpu.memory_space<hbm>> -> memref<32x8xi32, #tpu.memory_space<hbm>>
      tpu.wait_dma2 semaphore(%run_scoped3A : memref<!tpu.dma_semaphore, #tpu.memory_space<semaphore_mem>>) src(%dma_wait3A_21 : memref<32x8xi32, #tpu.memory_space<hbm>>) dst(%arg9 : memref<32x8xi32, #tpu.memory_space<vmem>>)
      tpu.yield
    }) : () -> ()
    "tpu.region"() ({
      %run_scoped3A = tpu.sem_alloc : memref<!tpu.dma_semaphore, #tpu.memory_space<semaphore_mem>>
      %dma_start3A = arith.constant 0 : i32
      %dma_start3A_8 = arith.constant 0 : i32
      %dma_start3A_9 = tpu.memref_slice %arg5[%add3A, %dma_start3A, %dma_start3A_8] : memref<32x32x8xi32, #tpu.memory_space<hbm>> -> memref<1x32x8xi32, #tpu.memory_space<hbm>>
      %dma_start3A_10 = tpu.memref_squeeze %dma_start3A_9 : memref<1x32x8xi32, #tpu.memory_space<hbm>> -> memref<32x8xi32, #tpu.memory_space<hbm>>
      %dma_start3A_11 = arith.constant 0 : i32
      %dma_start3A_12 = arith.constant 0 : i32
      %dma_start3A_13 = tpu.memref_slice %arg5[%add3A, %dma_start3A_11, %dma_start3A_12] : memref<32x32x8xi32, #tpu.memory_space<hbm>> -> memref<1x32x8xi32, #tpu.memory_space<hbm>>
      %dma_start3A_14 = tpu.memref_squeeze %dma_start3A_13 : memref<1x32x8xi32, #tpu.memory_space<hbm>> -> memref<32x8xi32, #tpu.memory_space<hbm>>
      tpu.enqueue_dma source(%dma_start3A_14 : memref<32x8xi32, #tpu.memory_space<hbm>>) target(%arg10 : memref<32x8xi32, #tpu.memory_space<vmem>>) target_semaphore(%run_scoped3A : memref<!tpu.dma_semaphore, #tpu.memory_space<semaphore_mem>>)
      %dma_wait3A = arith.constant 0 : i32
      %dma_wait3A_15 = arith.constant 0 : i32
      %dma_wait3A_16 = tpu.memref_slice %arg5[%add3A, %dma_wait3A, %dma_wait3A_15] : memref<32x32x8xi32, #tpu.memory_space<hbm>> -> memref<1x32x8xi32, #tpu.memory_space<hbm>>
      %dma_wait3A_17 = tpu.memref_squeeze %dma_wait3A_16 : memref<1x32x8xi32, #tpu.memory_space<hbm>> -> memref<32x8xi32, #tpu.memory_space<hbm>>
      %dma_wait3A_18 = arith.constant 0 : i32
      %dma_wait3A_19 = arith.constant 0 : i32
      %dma_wait3A_20 = tpu.memref_slice %arg5[%add3A, %dma_wait3A_18, %dma_wait3A_19] : memref<32x32x8xi32, #tpu.memory_space<hbm>> -> memref<1x32x8xi32, #tpu.memory_space<hbm>>
      %dma_wait3A_21 = tpu.memref_squeeze %dma_wait3A_20 : memref<1x32x8xi32, #tpu.memory_space<hbm>> -> memref<32x8xi32, #tpu.memory_space<hbm>>
      tpu.wait_dma2 semaphore(%run_scoped3A : memref<!tpu.dma_semaphore, #tpu.memory_space<semaphore_mem>>) src(%dma_wait3A_21 : memref<32x8xi32, #tpu.memory_space<hbm>>) dst(%arg10 : memref<32x8xi32, #tpu.memory_space<vmem>>)
      tpu.yield
    }) : () -> ()
    %scan3A = arith.constant 0 : i32
    %scan3A_1 = arith.constant 0 : i32
    %scan3A_2 = arith.constant 32 : i32
    %scan3A_3 = arith.addi %scan3A_1, %scan3A_2 : i32
    %scan3A_4 = arith.constant 1 : i32
    scf.for %scan3A_8 = %scan3A_1 to %scan3A_3 step %scan3A_4  : i32 {
      %dma_start3A = arith.constant 0 : i32
      %dma_start3A_9 = tpu.memref_slice %arg9[%scan3A_8, %dma_start3A] : memref<32x8xi32, #tpu.memory_space<vmem>> -> memref<1x8xi32, #tpu.memory_space<vmem>>
      %dma_start3A_10 = tpu.memref_squeeze %dma_start3A_9 : memref<1x8xi32, #tpu.memory_space<vmem>> -> memref<8xi32, #tpu.memory_space<vmem>>
      %dma_start3A_11 = arith.constant 0 : i32
      %dma_start3A_12 = arith.constant 0 : i32
      %dma_start3A_13 = tpu.memref_slice %arg2[%dma_start3A_11, %dma_start3A_12] : memref<32008x4096xf32, #tpu.memory_space<hbm>> -> memref<32008x4096xf32, #tpu.memory_space<hbm>>
      tpu.enqueue_indirect_dma source(%dma_start3A_13 : memref<32008x4096xf32, #tpu.memory_space<hbm>>) target(%arg13 : memref<8x4096xf32, #tpu.memory_space<vmem>>) offsets(%dma_start3A_10 : memref<8xi32, #tpu.memory_space<vmem>>) semaphore(%arg14 : memref<!tpu.dma_semaphore, #tpu.memory_space<semaphore_mem>>)
      %dma_wait3A = arith.constant 0 : i32
      %dma_wait3A_14 = tpu.memref_slice %arg9[%scan3A_8, %dma_wait3A] : memref<32x8xi32, #tpu.memory_space<vmem>> -> memref<1x8xi32, #tpu.memory_space<vmem>>
      %dma_wait3A_15 = tpu.memref_squeeze %dma_wait3A_14 : memref<1x8xi32, #tpu.memory_space<vmem>> -> memref<8xi32, #tpu.memory_space<vmem>>
      %dma_wait3A_16 = arith.constant 0 : i32
      %dma_wait3A_17 = arith.constant 0 : i32
      %dma_wait3A_18 = tpu.memref_slice %arg2[%dma_wait3A_16, %dma_wait3A_17] : memref<32008x4096xf32, #tpu.memory_space<hbm>> -> memref<32008x4096xf32, #tpu.memory_space<hbm>>
      tpu.wait_indirect_dma semaphore(%arg14 : memref<!tpu.dma_semaphore, #tpu.memory_space<semaphore_mem>>) src(%dma_wait3A_18 : memref<32008x4096xf32, #tpu.memory_space<hbm>>) dst(%arg13 : memref<8x4096xf32, #tpu.memory_space<vmem>>)
      %dma_start3A_19 = arith.constant 0 : i32
      %dma_start3A_20 = tpu.memref_slice %arg10[%scan3A_8, %dma_start3A_19] : memref<32x8xi32, #tpu.memory_space<vmem>> -> memref<1x8xi32, #tpu.memory_space<vmem>>
      %dma_start3A_21 = tpu.memref_squeeze %dma_start3A_20 : memref<1x8xi32, #tpu.memory_space<vmem>> -> memref<8xi32, #tpu.memory_space<vmem>>
      %dma_start3A_22 = arith.constant 0 : i32
      %dma_start3A_23 = arith.constant 0 : i32
      %dma_start3A_24 = tpu.memref_slice %arg8[%dma_start3A_22, %dma_start3A_23] : memref<8228x4096xf32, #tpu.memory_space<hbm>> -> memref<8228x4096xf32, #tpu.memory_space<hbm>>
      tpu.enqueue_indirect_dma source(%arg13 : memref<8x4096xf32, #tpu.memory_space<vmem>>) target(%dma_start3A_24 : memref<8228x4096xf32, #tpu.memory_space<hbm>>) offsets(%dma_start3A_21 : memref<8xi32, #tpu.memory_space<vmem>>) semaphore(%arg15 : memref<!tpu.dma_semaphore, #tpu.memory_space<semaphore_mem>>)
      %dma_wait3A_25 = arith.constant 0 : i32
      %dma_wait3A_26 = tpu.memref_slice %arg10[%scan3A_8, %dma_wait3A_25] : memref<32x8xi32, #tpu.memory_space<vmem>> -> memref<1x8xi32, #tpu.memory_space<vmem>>
      %dma_wait3A_27 = tpu.memref_squeeze %dma_wait3A_26 : memref<1x8xi32, #tpu.memory_space<vmem>> -> memref<8xi32, #tpu.memory_space<vmem>>
      %dma_wait3A_28 = arith.constant 0 : i32
      %dma_wait3A_29 = arith.constant 0 : i32
      %dma_wait3A_30 = tpu.memref_slice %arg8[%dma_wait3A_28, %dma_wait3A_29] : memref<8228x4096xf32, #tpu.memory_space<hbm>> -> memref<8228x4096xf32, #tpu.memory_space<hbm>>
      tpu.wait_indirect_dma semaphore(%arg15 : memref<!tpu.dma_semaphore, #tpu.memory_space<semaphore_mem>>) src(%arg13 : memref<8x4096xf32, #tpu.memory_space<vmem>>) dst(%dma_wait3A_30 : memref<8228x4096xf32, #tpu.memory_space<hbm>>)
    }
    %scan3A_5 = arith.constant 32 : i32
    %lt3A = arith.constant 4 : i32
    %lt3A_6 = arith.cmpi slt, %add3A, %lt3A : i32
    %convert_element_type3A = arith.extui %lt3A_6 : i1 to i32
    %cond3A = arith.constant 0 : i32
    %cond3A_7 = arith.cmpi ne, %convert_element_type3A, %cond3A : i32
    scf.if %cond3A_7 {
      "tpu.region"() ({
        %run_scoped3A = tpu.sem_alloc : memref<!tpu.dma_semaphore, #tpu.memory_space<semaphore_mem>>
        %dma_start3A = arith.constant 0 : i32
        %dma_start3A_14 = arith.constant 0 : i32
        %dma_start3A_15 = tpu.memref_slice %arg6[%add3A, %dma_start3A, %dma_start3A_14] : memref<4x2x8xi32, #tpu.memory_space<hbm>> -> memref<1x2x8xi32, #tpu.memory_space<hbm>>
        %dma_start3A_16 = tpu.memref_squeeze %dma_start3A_15 : memref<1x2x8xi32, #tpu.memory_space<hbm>> -> memref<2x8xi32, #tpu.memory_space<hbm>>
        %dma_start3A_17 = arith.constant 0 : i32
        %dma_start3A_18 = arith.constant 0 : i32
        %dma_start3A_19 = tpu.memref_slice %arg6[%add3A, %dma_start3A_17, %dma_start3A_18] : memref<4x2x8xi32, #tpu.memory_space<hbm>> -> memref<1x2x8xi32, #tpu.memory_space<hbm>>
        %dma_start3A_20 = tpu.memref_squeeze %dma_start3A_19 : memref<1x2x8xi32, #tpu.memory_space<hbm>> -> memref<2x8xi32, #tpu.memory_space<hbm>>
        tpu.enqueue_dma source(%dma_start3A_20 : memref<2x8xi32, #tpu.memory_space<hbm>>) target(%arg11 : memref<2x8xi32, #tpu.memory_space<vmem>>) target_semaphore(%run_scoped3A : memref<!tpu.dma_semaphore, #tpu.memory_space<semaphore_mem>>)
        %dma_wait3A = arith.constant 0 : i32
        %dma_wait3A_21 = arith.constant 0 : i32
        %dma_wait3A_22 = tpu.memref_slice %arg6[%add3A, %dma_wait3A, %dma_wait3A_21] : memref<4x2x8xi32, #tpu.memory_space<hbm>> -> memref<1x2x8xi32, #tpu.memory_space<hbm>>
        %dma_wait3A_23 = tpu.memref_squeeze %dma_wait3A_22 : memref<1x2x8xi32, #tpu.memory_space<hbm>> -> memref<2x8xi32, #tpu.memory_space<hbm>>
        %dma_wait3A_24 = arith.constant 0 : i32
        %dma_wait3A_25 = arith.constant 0 : i32
        %dma_wait3A_26 = tpu.memref_slice %arg6[%add3A, %dma_wait3A_24, %dma_wait3A_25] : memref<4x2x8xi32, #tpu.memory_space<hbm>> -> memref<1x2x8xi32, #tpu.memory_space<hbm>>
        %dma_wait3A_27 = tpu.memref_squeeze %dma_wait3A_26 : memref<1x2x8xi32, #tpu.memory_space<hbm>> -> memref<2x8xi32, #tpu.memory_space<hbm>>
        tpu.wait_dma2 semaphore(%run_scoped3A : memref<!tpu.dma_semaphore, #tpu.memory_space<semaphore_mem>>) src(%dma_wait3A_27 : memref<2x8xi32, #tpu.memory_space<hbm>>) dst(%arg11 : memref<2x8xi32, #tpu.memory_space<vmem>>)
        tpu.yield
      }) : () -> ()
      "tpu.region"() ({
        %run_scoped3A = tpu.sem_alloc : memref<!tpu.dma_semaphore, #tpu.memory_space<semaphore_mem>>
        %dma_start3A = arith.constant 0 : i32
        %dma_start3A_14 = arith.constant 0 : i32
        %dma_start3A_15 = tpu.memref_slice %arg7[%add3A, %dma_start3A, %dma_start3A_14] : memref<4x2x8xi32, #tpu.memory_space<hbm>> -> memref<1x2x8xi32, #tpu.memory_space<hbm>>
        %dma_start3A_16 = tpu.memref_squeeze %dma_start3A_15 : memref<1x2x8xi32, #tpu.memory_space<hbm>> -> memref<2x8xi32, #tpu.memory_space<hbm>>
        %dma_start3A_17 = arith.constant 0 : i32
        %dma_start3A_18 = arith.constant 0 : i32
        %dma_start3A_19 = tpu.memref_slice %arg7[%add3A, %dma_start3A_17, %dma_start3A_18] : memref<4x2x8xi32, #tpu.memory_space<hbm>> -> memref<1x2x8xi32, #tpu.memory_space<hbm>>
        %dma_start3A_20 = tpu.memref_squeeze %dma_start3A_19 : memref<1x2x8xi32, #tpu.memory_space<hbm>> -> memref<2x8xi32, #tpu.memory_space<hbm>>
        tpu.enqueue_dma source(%dma_start3A_20 : memref<2x8xi32, #tpu.memory_space<hbm>>) target(%arg12 : memref<2x8xi32, #tpu.memory_space<vmem>>) target_semaphore(%run_scoped3A : memref<!tpu.dma_semaphore, #tpu.memory_space<semaphore_mem>>)
        %dma_wait3A = arith.constant 0 : i32
        %dma_wait3A_21 = arith.constant 0 : i32
        %dma_wait3A_22 = tpu.memref_slice %arg7[%add3A, %dma_wait3A, %dma_wait3A_21] : memref<4x2x8xi32, #tpu.memory_space<hbm>> -> memref<1x2x8xi32, #tpu.memory_space<hbm>>
        %dma_wait3A_23 = tpu.memref_squeeze %dma_wait3A_22 : memref<1x2x8xi32, #tpu.memory_space<hbm>> -> memref<2x8xi32, #tpu.memory_space<hbm>>
        %dma_wait3A_24 = arith.constant 0 : i32
        %dma_wait3A_25 = arith.constant 0 : i32
        %dma_wait3A_26 = tpu.memref_slice %arg7[%add3A, %dma_wait3A_24, %dma_wait3A_25] : memref<4x2x8xi32, #tpu.memory_space<hbm>> -> memref<1x2x8xi32, #tpu.memory_space<hbm>>
        %dma_wait3A_27 = tpu.memref_squeeze %dma_wait3A_26 : memref<1x2x8xi32, #tpu.memory_space<hbm>> -> memref<2x8xi32, #tpu.memory_space<hbm>>
        tpu.wait_dma2 semaphore(%run_scoped3A : memref<!tpu.dma_semaphore, #tpu.memory_space<semaphore_mem>>) src(%dma_wait3A_27 : memref<2x8xi32, #tpu.memory_space<hbm>>) dst(%arg12 : memref<2x8xi32, #tpu.memory_space<vmem>>)
        tpu.yield
      }) : () -> ()
      %scan3A_8 = arith.constant 0 : i32
      %scan3A_9 = arith.constant 0 : i32
      %scan3A_10 = arith.constant 2 : i32
      %scan3A_11 = arith.addi %scan3A_9, %scan3A_10 : i32
      %scan3A_12 = arith.constant 1 : i32
      scf.for %scan3A_14 = %scan3A_9 to %scan3A_11 step %scan3A_12  : i32 {
        %dma_start3A = arith.constant 0 : i32
        %dma_start3A_15 = tpu.memref_slice %arg11[%scan3A_14, %dma_start3A] : memref<2x8xi32, #tpu.memory_space<vmem>> -> memref<1x8xi32, #tpu.memory_space<vmem>>
        %dma_start3A_16 = tpu.memref_squeeze %dma_start3A_15 : memref<1x8xi32, #tpu.memory_space<vmem>> -> memref<8xi32, #tpu.memory_space<vmem>>
        %dma_start3A_17 = arith.constant 0 : i32
        %dma_start3A_18 = arith.constant 0 : i32
        %dma_start3A_19 = tpu.memref_slice %arg3[%dma_start3A_17, %dma_start3A_18] : memref<40x4096xf32, #tpu.memory_space<hbm>> -> memref<40x4096xf32, #tpu.memory_space<hbm>>
        tpu.enqueue_indirect_dma source(%dma_start3A_19 : memref<40x4096xf32, #tpu.memory_space<hbm>>) target(%arg13 : memref<8x4096xf32, #tpu.memory_space<vmem>>) offsets(%dma_start3A_16 : memref<8xi32, #tpu.memory_space<vmem>>) semaphore(%arg14 : memref<!tpu.dma_semaphore, #tpu.memory_space<semaphore_mem>>)
        %dma_wait3A = arith.constant 0 : i32
        %dma_wait3A_20 = tpu.memref_slice %arg11[%scan3A_14, %dma_wait3A] : memref<2x8xi32, #tpu.memory_space<vmem>> -> memref<1x8xi32, #tpu.memory_space<vmem>>
        %dma_wait3A_21 = tpu.memref_squeeze %dma_wait3A_20 : memref<1x8xi32, #tpu.memory_space<vmem>> -> memref<8xi32, #tpu.memory_space<vmem>>
        %dma_wait3A_22 = arith.constant 0 : i32
        %dma_wait3A_23 = arith.constant 0 : i32
        %dma_wait3A_24 = tpu.memref_slice %arg3[%dma_wait3A_22, %dma_wait3A_23] : memref<40x4096xf32, #tpu.memory_space<hbm>> -> memref<40x4096xf32, #tpu.memory_space<hbm>>
        tpu.wait_indirect_dma semaphore(%arg14 : memref<!tpu.dma_semaphore, #tpu.memory_space<semaphore_mem>>) src(%dma_wait3A_24 : memref<40x4096xf32, #tpu.memory_space<hbm>>) dst(%arg13 : memref<8x4096xf32, #tpu.memory_space<vmem>>)
        %dma_start3A_25 = arith.constant 0 : i32
        %dma_start3A_26 = tpu.memref_slice %arg12[%scan3A_14, %dma_start3A_25] : memref<2x8xi32, #tpu.memory_space<vmem>> -> memref<1x8xi32, #tpu.memory_space<vmem>>
        %dma_start3A_27 = tpu.memref_squeeze %dma_start3A_26 : memref<1x8xi32, #tpu.memory_space<vmem>> -> memref<8xi32, #tpu.memory_space<vmem>>
        %dma_start3A_28 = arith.constant 0 : i32
        %dma_start3A_29 = arith.constant 0 : i32
        %dma_start3A_30 = tpu.memref_slice %arg8[%dma_start3A_28, %dma_start3A_29] : memref<8228x4096xf32, #tpu.memory_space<hbm>> -> memref<8228x4096xf32, #tpu.memory_space<hbm>>
        tpu.enqueue_indirect_dma source(%arg13 : memref<8x4096xf32, #tpu.memory_space<vmem>>) target(%dma_start3A_30 : memref<8228x4096xf32, #tpu.memory_space<hbm>>) offsets(%dma_start3A_27 : memref<8xi32, #tpu.memory_space<vmem>>) semaphore(%arg15 : memref<!tpu.dma_semaphore, #tpu.memory_space<semaphore_mem>>)
        %dma_wait3A_31 = arith.constant 0 : i32
        %dma_wait3A_32 = tpu.memref_slice %arg12[%scan3A_14, %dma_wait3A_31] : memref<2x8xi32, #tpu.memory_space<vmem>> -> memref<1x8xi32, #tpu.memory_space<vmem>>
        %dma_wait3A_33 = tpu.memref_squeeze %dma_wait3A_32 : memref<1x8xi32, #tpu.memory_space<vmem>> -> memref<8xi32, #tpu.memory_space<vmem>>
        %dma_wait3A_34 = arith.constant 0 : i32
        %dma_wait3A_35 = arith.constant 0 : i32
        %dma_wait3A_36 = tpu.memref_slice %arg8[%dma_wait3A_34, %dma_wait3A_35] : memref<8228x4096xf32, #tpu.memory_space<hbm>> -> memref<8228x4096xf32, #tpu.memory_space<hbm>>
        tpu.wait_indirect_dma semaphore(%arg15 : memref<!tpu.dma_semaphore, #tpu.memory_space<semaphore_mem>>) src(%arg13 : memref<8x4096xf32, #tpu.memory_space<vmem>>) dst(%dma_wait3A_36 : memref<8228x4096xf32, #tpu.memory_space<hbm>>)
      }
      %scan3A_13 = arith.constant 2 : i32
    } else {
    }
    return
  }
}

module attributes {stable_mosaic.version = 14 : i64} {
  func.func @_mlp_body(%arg0: i32, %arg1: memref<4x249x1024xf32, #tpu.memory_space<vmem>>, %arg2: memref<1024x4096xf32, #tpu.memory_space<vmem>>, %arg3: memref<1x4096xf32, #tpu.memory_space<vmem>>, %arg4: memref<4096x512xf32, #tpu.memory_space<vmem>>, %arg5: memref<1x512xf32, #tpu.memory_space<vmem>>, %arg6: memref<40x512xf32, #tpu.memory_space<vmem>>, %arg7: memref<40x4096xf32, #tpu.memory_space<vmem>>) attributes {dimension_semantics = [#tpu.dimension_semantics<arbitrary>], iteration_bounds = array<i64: 8>, scalar_prefetch = 0 : i64, scratch_operands = 1 : i64, tpu.core_type = #tpu.core_type<tc>, window_params = [{pipeline_mode = #tpu.pipeline_mode<synchronous>, transform_indices = @transform_0, window_bounds = array<i64: 4, 249, 1024>}, {pipeline_mode = #tpu.pipeline_mode<synchronous>, transform_indices = @transform_1, window_bounds = array<i64: 1024, 4096>}, {pipeline_mode = #tpu.pipeline_mode<synchronous>, transform_indices = @transform_2, window_bounds = array<i64: 1, 4096>}, {transform_indices = @transform_3, window_bounds = array<i64: 4096, 512>}, {transform_indices = @transform_4, window_bounds = array<i64: 1, 512>}, {transform_indices = @transform_5, window_bounds = array<i64: 40, 512>}]} {
    %eq3A = arith.constant 0 : i32
    %eq3A_0 = arith.cmpi eq, %arg0, %eq3A : i32
    %convert_element_type3A = arith.extui %eq3A_0 : i1 to i32
    %cond3A = arith.constant 0 : i32
    %cond3A_1 = arith.cmpi ne, %convert_element_type3A, %cond3A : i32
    scf.if %cond3A_1 {
      %get3A_14 = arith.constant 0 : index
      %get3A_15 = arith.constant 0 : index
      %get3A_16 = arith.constant 0 : index
      %get3A_17 = vector.load %arg1[%get3A_14, %get3A_15, %get3A_16] : memref<4x249x1024xf32, #tpu.memory_space<vmem>>, vector<4x1x1024xf32>
      %get3A_18 = vector.shape_cast %get3A_17 : vector<4x1x1024xf32> to vector<4x1024xf32>
      %mul3A = arith.constant 1.000000e+00 : f32
      %mul3A_19 = vector.broadcast %mul3A : f32 to vector<4x1024xf32>
      %mul3A_20 = arith.mulf %get3A_18, %mul3A_19 : vector<4x1024xf32>
      %get3A_21 = arith.constant 0 : index
      %get3A_22 = arith.constant 1 : index
      %get3A_23 = arith.constant 0 : index
      %get3A_24 = vector.load %arg1[%get3A_21, %get3A_22, %get3A_23] : memref<4x249x1024xf32, #tpu.memory_space<vmem>>, vector<4x1x1024xf32>
      %get3A_25 = vector.shape_cast %get3A_24 : vector<4x1x1024xf32> to vector<4x1024xf32>
      %mul3A_26 = arith.constant 0.000000e+00 : f32
      %mul3A_27 = vector.broadcast %mul3A_26 : f32 to vector<4x1024xf32>
      %mul3A_28 = arith.mulf %get3A_25, %mul3A_27 : vector<4x1024xf32>
      %add3A_29 = arith.addf %mul3A_20, %mul3A_28 : vector<4x1024xf32>
      %get3A_30 = arith.constant 0 : index
      %get3A_31 = arith.constant 27 : index
      %get3A_32 = arith.constant 0 : index
      %get3A_33 = vector.load %arg1[%get3A_30, %get3A_31, %get3A_32] : memref<4x249x1024xf32, #tpu.memory_space<vmem>>, vector<4x1x1024xf32>
      %get3A_34 = vector.shape_cast %get3A_33 : vector<4x1x1024xf32> to vector<4x1024xf32>
      %mul3A_35 = arith.constant 0.444444656 : f32
      %mul3A_36 = vector.broadcast %mul3A_35 : f32 to vector<4x1024xf32>
      %mul3A_37 = arith.mulf %get3A_34, %mul3A_36 : vector<4x1024xf32>
      %get3A_38 = arith.constant 0 : index
      %get3A_39 = arith.constant 28 : index
      %get3A_40 = arith.constant 0 : index
      %get3A_41 = vector.load %arg1[%get3A_38, %get3A_39, %get3A_40] : memref<4x249x1024xf32, #tpu.memory_space<vmem>>, vector<4x1x1024xf32>
      %get3A_42 = vector.shape_cast %get3A_41 : vector<4x1x1024xf32> to vector<4x1024xf32>
      %mul3A_43 = arith.constant 0.555555344 : f32
      %mul3A_44 = vector.broadcast %mul3A_43 : f32 to vector<4x1024xf32>
      %mul3A_45 = arith.mulf %get3A_42, %mul3A_44 : vector<4x1024xf32>
      %add3A_46 = arith.addf %mul3A_37, %mul3A_45 : vector<4x1024xf32>
      %get3A_47 = arith.constant 0 : index
      %get3A_48 = arith.constant 55 : index
      %get3A_49 = arith.constant 0 : index
      %get3A_50 = vector.load %arg1[%get3A_47, %get3A_48, %get3A_49] : memref<4x249x1024xf32, #tpu.memory_space<vmem>>, vector<4x1x1024xf32>
      %get3A_51 = vector.shape_cast %get3A_50 : vector<4x1x1024xf32> to vector<4x1024xf32>
      %mul3A_52 = arith.constant 0.888889312 : f32
      %mul3A_53 = vector.broadcast %mul3A_52 : f32 to vector<4x1024xf32>
      %mul3A_54 = arith.mulf %get3A_51, %mul3A_53 : vector<4x1024xf32>
      %get3A_55 = arith.constant 0 : index
      %get3A_56 = arith.constant 56 : index
      %get3A_57 = arith.constant 0 : index
      %get3A_58 = vector.load %arg1[%get3A_55, %get3A_56, %get3A_57] : memref<4x249x1024xf32, #tpu.memory_space<vmem>>, vector<4x1x1024xf32>
      %get3A_59 = vector.shape_cast %get3A_58 : vector<4x1x1024xf32> to vector<4x1024xf32>
      %mul3A_60 = arith.constant 0.111110687 : f32
      %mul3A_61 = vector.broadcast %mul3A_60 : f32 to vector<4x1024xf32>
      %mul3A_62 = arith.mulf %get3A_59, %mul3A_61 : vector<4x1024xf32>
      %add3A_63 = arith.addf %mul3A_54, %mul3A_62 : vector<4x1024xf32>
      %get3A_64 = arith.constant 0 : index
      %get3A_65 = arith.constant 82 : index
      %get3A_66 = arith.constant 0 : index
      %get3A_67 = vector.load %arg1[%get3A_64, %get3A_65, %get3A_66] : memref<4x249x1024xf32, #tpu.memory_space<vmem>>, vector<4x1x1024xf32>
      %get3A_68 = vector.shape_cast %get3A_67 : vector<4x1x1024xf32> to vector<4x1024xf32>
      %mul3A_69 = arith.constant 0.333335876 : f32
      %mul3A_70 = vector.broadcast %mul3A_69 : f32 to vector<4x1024xf32>
      %mul3A_71 = arith.mulf %get3A_68, %mul3A_70 : vector<4x1024xf32>
      %get3A_72 = arith.constant 0 : index
      %get3A_73 = arith.constant 83 : index
      %get3A_74 = arith.constant 0 : index
      %get3A_75 = vector.load %arg1[%get3A_72, %get3A_73, %get3A_74] : memref<4x249x1024xf32, #tpu.memory_space<vmem>>, vector<4x1x1024xf32>
      %get3A_76 = vector.shape_cast %get3A_75 : vector<4x1x1024xf32> to vector<4x1024xf32>
      %mul3A_77 = arith.constant 0.666664124 : f32
      %mul3A_78 = vector.broadcast %mul3A_77 : f32 to vector<4x1024xf32>
      %mul3A_79 = arith.mulf %get3A_76, %mul3A_78 : vector<4x1024xf32>
      %add3A_80 = arith.addf %mul3A_71, %mul3A_79 : vector<4x1024xf32>
      %get3A_81 = arith.constant 0 : index
      %get3A_82 = arith.constant 110 : index
      %get3A_83 = arith.constant 0 : index
      %get3A_84 = vector.load %arg1[%get3A_81, %get3A_82, %get3A_83] : memref<4x249x1024xf32, #tpu.memory_space<vmem>>, vector<4x1x1024xf32>
      %get3A_85 = vector.shape_cast %get3A_84 : vector<4x1x1024xf32> to vector<4x1024xf32>
      %mul3A_86 = arith.constant 0.777778625 : f32
      %mul3A_87 = vector.broadcast %mul3A_86 : f32 to vector<4x1024xf32>
      %mul3A_88 = arith.mulf %get3A_85, %mul3A_87 : vector<4x1024xf32>
      %get3A_89 = arith.constant 0 : index
      %get3A_90 = arith.constant 111 : index
      %get3A_91 = arith.constant 0 : index
      %get3A_92 = vector.load %arg1[%get3A_89, %get3A_90, %get3A_91] : memref<4x249x1024xf32, #tpu.memory_space<vmem>>, vector<4x1x1024xf32>
      %get3A_93 = vector.shape_cast %get3A_92 : vector<4x1x1024xf32> to vector<4x1024xf32>
      %mul3A_94 = arith.constant 0.222221375 : f32
      %mul3A_95 = vector.broadcast %mul3A_94 : f32 to vector<4x1024xf32>
      %mul3A_96 = arith.mulf %get3A_93, %mul3A_95 : vector<4x1024xf32>
      %add3A_97 = arith.addf %mul3A_88, %mul3A_96 : vector<4x1024xf32>
      %get3A_98 = arith.constant 0 : index
      %get3A_99 = arith.constant 137 : index
      %get3A_100 = arith.constant 0 : index
      %get3A_101 = vector.load %arg1[%get3A_98, %get3A_99, %get3A_100] : memref<4x249x1024xf32, #tpu.memory_space<vmem>>, vector<4x1x1024xf32>
      %get3A_102 = vector.shape_cast %get3A_101 : vector<4x1x1024xf32> to vector<4x1024xf32>
      %mul3A_103 = arith.constant 2.222290e-01 : f32
      %mul3A_104 = vector.broadcast %mul3A_103 : f32 to vector<4x1024xf32>
      %mul3A_105 = arith.mulf %get3A_102, %mul3A_104 : vector<4x1024xf32>
      %get3A_106 = arith.constant 0 : index
      %get3A_107 = arith.constant 138 : index
      %get3A_108 = arith.constant 0 : index
      %get3A_109 = vector.load %arg1[%get3A_106, %get3A_107, %get3A_108] : memref<4x249x1024xf32, #tpu.memory_space<vmem>>, vector<4x1x1024xf32>
      %get3A_110 = vector.shape_cast %get3A_109 : vector<4x1x1024xf32> to vector<4x1024xf32>
      %mul3A_111 = arith.constant 0.777770996 : f32
      %mul3A_112 = vector.broadcast %mul3A_111 : f32 to vector<4x1024xf32>
      %mul3A_113 = arith.mulf %get3A_110, %mul3A_112 : vector<4x1024xf32>
      %add3A_114 = arith.addf %mul3A_105, %mul3A_113 : vector<4x1024xf32>
      %get3A_115 = arith.constant 0 : index
      %get3A_116 = arith.constant 165 : index
      %get3A_117 = arith.constant 0 : index
      %get3A_118 = vector.load %arg1[%get3A_115, %get3A_116, %get3A_117] : memref<4x249x1024xf32, #tpu.memory_space<vmem>>, vector<4x1x1024xf32>
      %get3A_119 = vector.shape_cast %get3A_118 : vector<4x1x1024xf32> to vector<4x1024xf32>
      %mul3A_120 = arith.constant 0.666671753 : f32
      %mul3A_121 = vector.broadcast %mul3A_120 : f32 to vector<4x1024xf32>
      %mul3A_122 = arith.mulf %get3A_119, %mul3A_121 : vector<4x1024xf32>
      %get3A_123 = arith.constant 0 : index
      %get3A_124 = arith.constant 166 : index
      %get3A_125 = arith.constant 0 : index
      %get3A_126 = vector.load %arg1[%get3A_123, %get3A_124, %get3A_125] : memref<4x249x1024xf32, #tpu.memory_space<vmem>>, vector<4x1x1024xf32>
      %get3A_127 = vector.shape_cast %get3A_126 : vector<4x1x1024xf32> to vector<4x1024xf32>
      %mul3A_128 = arith.constant 0.333328247 : f32
      %mul3A_129 = vector.broadcast %mul3A_128 : f32 to vector<4x1024xf32>
      %mul3A_130 = arith.mulf %get3A_127, %mul3A_129 : vector<4x1024xf32>
      %add3A_131 = arith.addf %mul3A_122, %mul3A_130 : vector<4x1024xf32>
      %get3A_132 = arith.constant 0 : index
      %get3A_133 = arith.constant 192 : index
      %get3A_134 = arith.constant 0 : index
      %get3A_135 = vector.load %arg1[%get3A_132, %get3A_133, %get3A_134] : memref<4x249x1024xf32, #tpu.memory_space<vmem>>, vector<4x1x1024xf32>
      %get3A_136 = vector.shape_cast %get3A_135 : vector<4x1x1024xf32> to vector<4x1024xf32>
      %mul3A_137 = arith.constant 0.111114502 : f32
      %mul3A_138 = vector.broadcast %mul3A_137 : f32 to vector<4x1024xf32>
      %mul3A_139 = arith.mulf %get3A_136, %mul3A_138 : vector<4x1024xf32>
      %get3A_140 = arith.constant 0 : index
      %get3A_141 = arith.constant 193 : index
      %get3A_142 = arith.constant 0 : index
      %get3A_143 = vector.load %arg1[%get3A_140, %get3A_141, %get3A_142] : memref<4x249x1024xf32, #tpu.memory_space<vmem>>, vector<4x1x1024xf32>
      %get3A_144 = vector.shape_cast %get3A_143 : vector<4x1x1024xf32> to vector<4x1024xf32>
      %mul3A_145 = arith.constant 0.888885498 : f32
      %mul3A_146 = vector.broadcast %mul3A_145 : f32 to vector<4x1024xf32>
      %mul3A_147 = arith.mulf %get3A_144, %mul3A_146 : vector<4x1024xf32>
      %add3A_148 = arith.addf %mul3A_139, %mul3A_147 : vector<4x1024xf32>
      %get3A_149 = arith.constant 0 : index
      %get3A_150 = arith.constant 220 : index
      %get3A_151 = arith.constant 0 : index
      %get3A_152 = vector.load %arg1[%get3A_149, %get3A_150, %get3A_151] : memref<4x249x1024xf32, #tpu.memory_space<vmem>>, vector<4x1x1024xf32>
      %get3A_153 = vector.shape_cast %get3A_152 : vector<4x1x1024xf32> to vector<4x1024xf32>
      %mul3A_154 = arith.constant 0.555557251 : f32
      %mul3A_155 = vector.broadcast %mul3A_154 : f32 to vector<4x1024xf32>
      %mul3A_156 = arith.mulf %get3A_153, %mul3A_155 : vector<4x1024xf32>
      %get3A_157 = arith.constant 0 : index
      %get3A_158 = arith.constant 221 : index
      %get3A_159 = arith.constant 0 : index
      %get3A_160 = vector.load %arg1[%get3A_157, %get3A_158, %get3A_159] : memref<4x249x1024xf32, #tpu.memory_space<vmem>>, vector<4x1x1024xf32>
      %get3A_161 = vector.shape_cast %get3A_160 : vector<4x1x1024xf32> to vector<4x1024xf32>
      %mul3A_162 = arith.constant 0.444442749 : f32
      %mul3A_163 = vector.broadcast %mul3A_162 : f32 to vector<4x1024xf32>
      %mul3A_164 = arith.mulf %get3A_161, %mul3A_163 : vector<4x1024xf32>
      %add3A_165 = arith.addf %mul3A_156, %mul3A_164 : vector<4x1024xf32>
      %get3A_166 = arith.constant 0 : index
      %get3A_167 = arith.constant 248 : index
      %get3A_168 = arith.constant 0 : index
      %get3A_169 = vector.load %arg1[%get3A_166, %get3A_167, %get3A_168] : memref<4x249x1024xf32, #tpu.memory_space<vmem>>, vector<4x1x1024xf32>
      %get3A_170 = vector.shape_cast %get3A_169 : vector<4x1x1024xf32> to vector<4x1024xf32>
      %mul3A_171 = arith.constant 1.000000e+00 : f32
      %mul3A_172 = vector.broadcast %mul3A_171 : f32 to vector<4x1024xf32>
      %mul3A_173 = arith.mulf %get3A_170, %mul3A_172 : vector<4x1024xf32>
      %get3A_174 = arith.constant 0 : index
      %get3A_175 = arith.constant 248 : index
      %get3A_176 = arith.constant 0 : index
      %get3A_177 = vector.load %arg1[%get3A_174, %get3A_175, %get3A_176] : memref<4x249x1024xf32, #tpu.memory_space<vmem>>, vector<4x1x1024xf32>
      %get3A_178 = vector.shape_cast %get3A_177 : vector<4x1x1024xf32> to vector<4x1024xf32>
      %mul3A_179 = arith.constant 0.000000e+00 : f32
      %mul3A_180 = vector.broadcast %mul3A_179 : f32 to vector<4x1024xf32>
      %mul3A_181 = arith.mulf %get3A_178, %mul3A_180 : vector<4x1024xf32>
      %add3A_182 = arith.addf %mul3A_173, %mul3A_181 : vector<4x1024xf32>
      %concatenate3A = tpu.concatenate %add3A_29, %add3A_46, %add3A_63, %add3A_80, %add3A_97, %add3A_114, %add3A_131, %add3A_148, %add3A_165, %add3A_182 in 0 : vector<4x1024xf32>, vector<4x1024xf32>, vector<4x1024xf32>, vector<4x1024xf32>, vector<4x1024xf32>, vector<4x1024xf32>, vector<4x1024xf32>, vector<4x1024xf32>, vector<4x1024xf32>, vector<4x1024xf32> -> vector<40x1024xf32>
      %get3A_183 = arith.constant 0 : index
      %get3A_184 = arith.constant 0 : index
      %get3A_185 = vector.load %arg2[%get3A_183, %get3A_184] : memref<1024x4096xf32, #tpu.memory_space<vmem>>, vector<1024x4096xf32>
      %dot_general3A_186 = arith.constant dense<0.000000e+00> : vector<40x4096xf32>
      %dot_general3A_187 = tpu.matmul %concatenate3A, %get3A_185, %dot_general3A_186 {dimension_numbers = #tpu.dot_dimension_numbers<[1], [0], [0], [1], [0, 0, 1, 1], [], []>, transpose_lhs_hint = false} : vector<40x1024xf32>, vector<1024x4096xf32>, vector<40x4096xf32> -> vector<40x4096xf32>
      %get3A_188 = arith.constant 0 : index
      %get3A_189 = arith.constant 0 : index
      %get3A_190 = vector.load %arg3[%get3A_188, %get3A_189] : memref<1x4096xf32, #tpu.memory_space<vmem>>, vector<1x4096xf32>
      %add3A_191 = vector.broadcast %get3A_190 : vector<1x4096xf32> to vector<40x4096xf32>
      %add3A_192 = arith.addf %dot_general3A_187, %add3A_191 : vector<40x4096xf32>
      %neg3A = arith.constant 0.000000e+00 : f32
      %neg3A_193 = vector.broadcast %neg3A : f32 to vector<40x4096xf32>
      %neg3A_194 = arith.subf %neg3A_193, %add3A_192 : vector<40x4096xf32>
      %exp3A = math.exp %neg3A_194 : vector<40x4096xf32>
      %add3A_195 = arith.constant 1.000000e+00 : f32
      %add3A_196 = vector.broadcast %add3A_195 : f32 to vector<40x4096xf32>
      %add3A_197 = arith.addf %add3A_196, %exp3A : vector<40x4096xf32>
      %div3A = arith.constant 1.000000e+00 : f32
      %div3A_198 = vector.broadcast %div3A : f32 to vector<40x4096xf32>
      %div3A_199 = arith.divf %div3A_198, %add3A_197 : vector<40x4096xf32>
      %mul3A_200 = arith.mulf %add3A_192, %div3A_199 : vector<40x4096xf32>
      %swap3A_201 = arith.constant 0 : index
      %swap3A_202 = arith.constant 0 : index
      %swap3A_203 = vector.load %arg7[%swap3A_201, %swap3A_202] : memref<40x4096xf32, #tpu.memory_space<vmem>>, vector<40x4096xf32>
      tpu.vector_store %arg7[%swap3A_201, %swap3A_202], %mul3A_200 {strides = array<i32>} : memref<40x4096xf32, #tpu.memory_space<vmem>>, vector<40x4096xf32>,
    } else {
    }
    %get3A = arith.constant 0 : index
    %get3A_2 = arith.constant 0 : index
    %get3A_3 = vector.load %arg7[%get3A, %get3A_2] : memref<40x4096xf32, #tpu.memory_space<vmem>>, vector<40x4096xf32>
    %get3A_4 = arith.constant 0 : index
    %get3A_5 = arith.constant 0 : index
    %get3A_6 = vector.load %arg4[%get3A_4, %get3A_5] : memref<4096x512xf32, #tpu.memory_space<vmem>>, vector<4096x512xf32>
    %dot_general3A = arith.constant dense<0.000000e+00> : vector<40x512xf32>
    %dot_general3A_7 = tpu.matmul %get3A_3, %get3A_6, %dot_general3A {dimension_numbers = #tpu.dot_dimension_numbers<[1], [0], [0], [1], [0, 0, 1, 1], [], []>, transpose_lhs_hint = false} : vector<40x4096xf32>, vector<4096x512xf32>, vector<40x512xf32> -> vector<40x512xf32>
    %get3A_8 = arith.constant 0 : index
    %get3A_9 = arith.constant 0 : index
    %get3A_10 = vector.load %arg5[%get3A_8, %get3A_9] : memref<1x512xf32, #tpu.memory_space<vmem>>, vector<1x512xf32>
    %add3A = vector.broadcast %get3A_10 : vector<1x512xf32> to vector<40x512xf32>
    %add3A_11 = arith.addf %dot_general3A_7, %add3A : vector<40x512xf32>
    %swap3A = arith.constant 0 : index
    %swap3A_12 = arith.constant 0 : index
    %swap3A_13 = vector.load %arg6[%swap3A, %swap3A_12] : memref<40x512xf32, #tpu.memory_space<vmem>>, vector<40x512xf32>
    tpu.vector_store %arg6[%swap3A, %swap3A_12], %add3A_11 {strides = array<i32>} : memref<40x512xf32, #tpu.memory_space<vmem>>, vector<40x512xf32>,
    return
  }
  func.func @transform_0(%arg0: i32) -> (i32, i32, i32) {
    %c0_i32 = arith.constant 0 : i32
    %c0_i32_0 = arith.constant 0 : i32
    %c0_i32_1 = arith.constant 0 : i32
    %c0_i32_2 = arith.constant 0 : i32
    return %c0_i32, %c0_i32_0, %c0_i32_1 : i32, i32, i32
  }
  func.func @transform_1(%arg0: i32) -> (i32, i32) {
    %c0_i32 = arith.constant 0 : i32
    %c0_i32_0 = arith.constant 0 : i32
    %c0_i32_1 = arith.constant 0 : i32
    return %c0_i32, %c0_i32_0 : i32, i32
  }
  func.func @transform_2(%arg0: i32) -> (i32, i32) {
    %c0_i32 = arith.constant 0 : i32
    %c0_i32_0 = arith.constant 0 : i32
    %c0_i32_1 = arith.constant 0 : i32
    return %c0_i32, %c0_i32_0 : i32, i32
  }
  func.func @transform_3(%arg0: i32) -> (i32, i32) {
    %c0_i32 = arith.constant 0 : i32
    %c0_i32_0 = arith.constant 0 : i32
    return %c0_i32, %arg0 : i32, i32
  }
  func.func @transform_4(%arg0: i32) -> (i32, i32) {
    %c0_i32 = arith.constant 0 : i32
    %c0_i32_0 = arith.constant 0 : i32
    return %c0_i32, %arg0 : i32, i32
  }
  func.func @transform_5(%arg0: i32) -> (i32, i32) {
    %c0_i32 = arith.constant 0 : i32
    %c0_i32_0 = arith.constant 0 : i32
    return %c0_i32, %arg0 : i32, i32
  }
}

</mosaic_0001>

<sc_bundles>
// kernel: kernel.4.cloned.1.call-start
scs
__scs_entry_jumppad:
0x0: {  	(pc) =	sbr.rel $0x88, $3  }
0x1: {  	(tag) =	ssettag $0x0;
	lr =	simm.s32 $0x1  }
0x2: {  	[smem:$0x3F99] =	sst lr;
	_ =	strace $0xD0000000  }
0x3: {  	_ = 	snop  }
0x4: {  	_ = 	snop  }
0x5: {  	_ = 	snop  }
0x6: {  	_ = 	snop  }
0x7: {  	_ = 	snop  }
__scs_overlays_trampoline_lowered:
0x8: {  	[smem:$0x3FA8] =	sst s0  }
0x9: {  	[smem:$0x3FA9] =	sst s1  }
0xa: {  	[smem:$0x3FAA] =	sst s2  }
0xb: {  	[smem:$0x3FAB] =	sst s3  }
0xc: {  	[smem:$0x3FAC] =	sst s4  }
0xd: {  	[smem:$0x3FAD] =	sst s5  }
0xe: {  	[smem:$0x3FAE] =	sst s6  }
0xf: {  	[smem:$0x3FAF] =	sst s7  }
0x10: {  	[smem:$0x3FB0] =	sst s8  }
0x11: {  	[smem:$0x3FB1] =	sst s9;
	s0 =	simm.s32 @!p0 $0x0  }
0x12: {  	s1 =	sld [smem:$0x3F97];
	s0 =	simm.s32 @p0 $0x1  }
0x13: {  	[smem:$0x3FB2] =	sst s0;
	s0 =	simm.s32 @!p1 $0x0  }
0x14: {  	s2 =	sld [smem:$0x3F96];
	s0 =	simm.s32 @p1 $0x1  }
0x15: {  	[smem:$0x3FB3] =	sst s0;
	s0 =	simm.s32 @!p2 $0x0  }
0x16: {  	s3 =	sld [smem:$0x3FDB];
	s0 =	simm.s32 @p2 $0x1  }
0x17: {  	s4 =	simm.s32 $0x1BF5;
	[smem:$0x3FB5] =	sst s0  }
0x18: {  	s0 =	sld [smem:$0x3F98];
	_ =	swait.ge [sflag:s4], $0x0  }
0x19: {  	s7 =	sld [smem:$0x3F99]  }
0x1a: {  	s8 =	sadd.s32 $0xFFFFE003, lr  }
0x1b: {  	s9 =	sadd.s32 $0xFFFFFEF7, lr;
	s5 =	simm.s32 $0xFFFFFFFF;
	p2 =	slt.u32 s8, $0xFFFFF086  }
0x1c: {  	p1 =	slt.u32 s9, $0xF7A;
	s5 =	simm.s32 @!p2 $0x0  }
0x1d: {  	s5 =	simm.s32 @p1 $0x1;
	p0 =	seq.s32 s7, s2  }
0x1e: {  	s7 =	smul.u32 @!p0 $0xF7A, s2;
	p2 =	seq.s32 @!p0 s5, $0x0  }
0x1f: {  	s9 =	smul.u32 $0xF7A, s1;
	s8 =	simm.s32 @!p0 $0x1BF5;
	p2 =	por !p2, p0  }
0x20: {  	[sflag:s8] =	ssyncset.s32 @!p0 $0xFFFFF086;
	s6 =	sadd.s32 @!p0 s3, s7;
	s7 =	simm.s32 @!p0 $0x108  }
0x21: {  	s3 =	sadd.s32 s3, s9;
	s6 =	sadd.s32 @!p0 $0x88, s6;
	s7 =	simm.s32 @p2 $0x1082  }
0x22: {  	[simem:s7], [sflag:s8] =	dma.local @!p0 [hbm:s6], $0xF7A  }
0x23: {  	s9 =	sor.u32 $0xD0000000, s2;
	s6 =	simm.s32 $0x108;
	_ =	swait.ge @!p0 [sflag:s8], $0x0  }
0x24: {  	s3 =	sadd.s32 $0x88, s3;
	s6 =	simm.s32 @!p1 $0x1082;
	[sflag:s4] =	ssyncset.s32 $0xFFFFF086  }
0x25: {  	[simem:s6], [sflag:s4] =	dma.local [hbm:s3], $0xF7A  }
0x26: {  	[smem:$0x3F99] =	sst s1;
	(tag) =	ssettag s2;
	_ =	strace s9  }
0x27: {  	s1 =	sld [smem:$0x3FA9]  }
0x28: {  	s2 =	sld [smem:$0x3FAA]  }
0x29: {  	s4 =	sld [smem:$0x3FAC]  }
0x2a: {  	p0 =	seq.s32 s5, $0x0;
	s5 =	sld [smem:$0x3FAD]  }
0x2b: {  	s6 =	sld [smem:$0x3FAE]  }
0x2c: {  	s7 =	sld [smem:$0x3FAF]  }
0x2d: {  	s3 =	simm.s32 $0x108;
	s8 =	sld [smem:$0x3FB0]  }
0x2e: {  	s3 =	simm.s32 @!p0 $0x1082;
	s9 =	sld [smem:$0x3FB1]  }
0x2f: {  	lr =	sadd.s32 s0, s3;
	s0 =	sld [smem:$0x3FA8]  }
0x30: {  	s3 =	sld [smem:$0x3FAB]  }
0x31: {  	[smem:$0x3FB4] =	sst s10  }
0x32: {  	s10 =	sld [smem:$0x3FB2];
	_ =	sdelay $0x3  }
0x33: {  	p0 =	seq.s32 s10, $0x1;
	s10 =	sld [smem:$0x3FB4];
	_ =	sdelay $0x3  }
0x34: {  	[smem:$0x3FB4] =	sst s10  }
0x35: {  	s10 =	sld [smem:$0x3FB3];
	_ =	sdelay $0x3  }
0x36: {  	p1 =	seq.s32 s10, $0x1;
	s10 =	sld [smem:$0x3FB4];
	_ =	sdelay $0x3  }
0x37: {  	[smem:$0x3FB4] =	sst s10  }
0x38: {  	s10 =	sld [smem:$0x3FB5]  }
0x39: {  	_ = 	snop;
	(pc) =	sbr.ind lr, $3  }
0x3a: {  	_ = 	snop  }
0x3b: {  	_ = 	snop  }
0x3c: {  	p2 =	seq.s32 s10, $0x1;
	s10 =	sld [smem:$0x3FB4]  }
0x3d: {  	_ =	shalt  }
0x3e: {  	_ =	shalt  }
0x3f: {  	_ =	shalt  }
0x40: {  	_ =	shalt  }
0x41: {  	_ =	shalt  }
0x42: {  	_ =	shalt  }
0x43: {  	_ =	shalt  }
0x44: {  	_ =	shalt  }
0x45: {  	_ =	shalt  }
0x46: {  	_ =	shalt  }
0x47: {  	_ =	shalt  }
0x48: {  	_ =	shalt  }
0x49: {  	_ =	shalt  }
0x4a: {  	_ =	shalt  }
0x4b: {  	_ =	shalt  }
0x4c: {  	_ =	shalt  }
0x4d: {  	_ =	shalt  }
0x4e: {  	_ =	shalt  }
0x4f: {  	_ =	shalt  }
0x50: {  	_ =	shalt  }
0x51: {  	_ =	shalt  }
0x52: {  	_ =	shalt  }
0x53: {  	_ =	shalt  }
0x54: {  	_ =	shalt  }
0x55: {  	_ =	shalt  }
0x56: {  	_ =	shalt  }
0x57: {  	_ =	shalt  }
0x58: {  	_ =	shalt  }
0x59: {  	_ =	shalt  }
0x5a: {  	_ =	shalt  }
0x5b: {  	_ =	shalt  }
0x5c: {  	_ =	shalt  }
0x5d: {  	_ =	shalt  }
0x5e: {  	_ =	shalt  }
0x5f: {  	_ =	shalt  }
0x60: {  	_ =	shalt  }
0x61: {  	_ =	shalt  }
0x62: {  	_ =	shalt  }
0x63: {  	_ =	shalt  }
0x64: {  	_ =	shalt  }
0x65: {  	_ =	shalt  }
0x66: {  	_ =	shalt  }
0x67: {  	_ =	shalt  }
0x68: {  	_ =	shalt  }
0x69: {  	_ =	shalt  }
0x6a: {  	_ =	shalt  }
0x6b: {  	_ =	shalt  }
0x6c: {  	_ =	shalt  }
0x6d: {  	_ =	shalt  }
0x6e: {  	_ =	shalt  }
0x6f: {  	_ =	shalt  }
0x70: {  	_ =	shalt  }
0x71: {  	_ =	shalt  }
0x72: {  	_ =	shalt  }
0x73: {  	_ =	shalt  }
0x74: {  	_ =	shalt  }
0x75: {  	_ =	shalt  }
0x76: {  	_ =	shalt  }
0x77: {  	_ =	shalt  }
0x78: {  	_ =	shalt  }
0x79: {  	_ =	shalt  }
0x7a: {  	_ =	shalt  }
0x7b: {  	_ =	shalt  }
0x7c: {  	_ =	shalt  }
0x7d: {  	_ =	shalt  }
0x7e: {  	_ =	shalt  }
0x7f: {  	_ =	shalt  }
0x80: {  	_ =	shalt  }
0x81: {  	_ =	shalt  }
0x82: {  	_ =	shalt  }
0x83: {  	_ =	shalt  }
0x84: {  	_ =	shalt  }
0x85: {  	_ =	shalt  }
0x86: {  	_ =	shalt  }
0x87: {  	_ =	shalt  }
.Lfunc_end0:
.L_simem_size_0:
called_computation.1_lowered:
.L_overlay_start_0:
0x88: {  	s2 =	sld [smem:$0x3FD9]  }
0x89: {  	s3 =	sld [smem:$0x3FFE];
	_ =	sdelay $0x1  }
0x8a: {  	s1 =	srdreg.scid  }
0x8b: {  	s0 =	sand.u32 $0x1, s1  }
0x8c: {  	s14 =	sshll.u32 s0, $0xA;
	s2 =	sadd.s32 s3, s2  }
0x8d: {  	s2 =	sadd.s32 s2, s14  }
0x8e: {  	[smem:$0x3FC0] =	sst s2  }
0x8f: {  	_ = 	snop  }
0x90: {  	s2 =	sld [smem:$0x3FD0];
	_ =	sdelay $0x2  }
0x91: {  	s4 =	simm.s32 $0xA;
	s5 =	simm.s32 $0x10;
	s15 =	sld [smem:$0x3FC6]  }
0x92: {  	[smem:s5], [sflag:s4] =	dma.local [hbm:s2], $0x1  }
0x93: {  	_ =	swait.eq [sflag:s4], $0x1  }
0x94: {  	[sflag:s4] =	ssyncset.done $0x0  }
0x95: {  	s16 =	sld [smem:$0x10];
	[sflag:s4] =	ssyncadd.s32 $0xFFFFFFFF  }
0x96: {  	s17 =	sld [smem:$0x11];
	(tm) =	ssettm $0x1  }
0x97: {  	s18 =	sld [smem:$0x3FFB];
	_ =	sdelay $0x3  }
0x98: {  	_ =	strace s18  }
0x99: {  	s5 =	sld [smem:$0x3FFC];
	_ =	sdelay $0x3  }
0x9a: {  	_ =	strace s5  }
0x9b: {  	s5 =	sld [smem:$0x3FFD];
	_ =	sdelay $0x3  }
0x9c: {  	_ =	strace s5  }
0x9d: {  	_ =	strace $0x8FFFFFFF  }
0x9e: {  	s19 =	sld [smem:$0x3FDB];
	_ =	sdelay $0x1  }
0x9f: {  	s6 =	simm.s32 $_scs_section_size  }
0xa0: {  	s7 =	simm.s32 $_size__tile_overlayer_lowered;
	s8 =	simm.s32 $_tile_overlayer_lowered  }
0xa1: {  	s22 =	simm.s32 $0x1BFF;
	s21 =	sshll.u32 s8, $0x1;
	s5 =	sadd.s32 s6, s19  }
0xa2: {  	s9 =	simm.s32 $0x0;
	s20 =	sshll.u32 s7, $0x1;
	s7 =	sadd.s32 s21, s5  }
0xa3: {  	[timem:s9], [sflag:s22] =	dma.local [hbm:s7], s20  }
0xa4: {  	_ =	swait.ge [sflag:s22], s20  }
0xa5: {  	s6 =	ssub.s32 $0x0, s20;
	[sflag:s22] =	ssyncset.done $0x0  }
0xa6: {  	[sflag:s22] =	ssyncadd.s32 s6;
	_ =	sdelay $0x1  }
0xa7: {  	s23 =	simm.s32 $0x1B8B  }
0xa8: {  	_ =	swait.ge [sflag:s23], $0x1  }
0xa9: {  	[sflag:s23] =	ssyncset.done $0x0  }
0xaa: {  	s25 =	simm.s32 $0x1B8E;
	s24 =	sld [smem:$0x3FFE];
	[sflag:s23] =	ssyncadd.s32 $0xFFFFFFFF  }
0xab: {  	s26 =	simm.s32 $execute0_lowered;
	[smem:$0x3FD2] =	sst s25  }
0xac: {  	s7 =	sshll.u32 s26, $0x1;
	_ =	strace $0x80000046;
	[dreg:$0x1] =	wrdreg $0xFFFFFFFF  }
0xad: {  	s28 =	simm.s32 $_size_execute0_lowered;
	s5 =	sadd.s32 s5, s7;
	[dreg:$0x0] =	wrdreg $0x0  }
0xae: {  	s7 =	sshll.u32 s28, $0x1;
	[dreg:$0x2] =	wrdreg s5  }
0xaf: {  	[dreg:$0x3] =	wrdreg s7  }
0xb0: {  	[dreg:$0x4] =	wrdreg $0xC0  }
0xb1: {  	_ =	task [dreg:s9], $0x5FFFF  }
0xb2: {  	[dreg:$0x1] =	wrdreg $0xFFFFFFFF  }
0xb3: {  	[dreg:$0x0] =	wrdreg $0x60  }
0xb4: {  	[dreg:$0x2] =	wrdreg s15  }
0xb5: {  	[dreg:$0x3] =	wrdreg s16  }
0xb6: {  	[dreg:$0x4] =	wrdreg s24  }
0xb7: {  	[dreg:$0x5] =	wrdreg s17  }
0xb8: {  	[dreg:$0x6] =	wrdreg $0x9  }
0xb9: {  	_ =	task.clear_ibuf [dreg:s9], $0x7FFFF;
	_ =	strace $0x90000046  }
0xba: {  	s29 =	simm.s32 $0x9;
	_ =	strace $0x80000048  }
0xbb: {  	_ =	swait.ge [sflag:s29], $0x1  }
0xbc: {  	[sflag:s29] =	ssyncadd.s32 $0xFFFFFFFF  }
0xbd: {  	_ =	strace $0x90000048  }
0xbe: {  	_ =	sfence  }
0xbf: {  	s30 =	sld [smem:$0x0];
	_ =	sdelay $0x2  }
0xc0: {  	s31 =	sshll.u32 s1, $0xD;
	s1 =	sshrl.u32 s1, $0x2  }
0xc1: {  	s3 =	sand.u32 $0x4000, s31;
	s1 =	sadd.s32 s1, s30  }
0xc2: {  	s0 =	sor.u32 s3, s0;
	s1 =	sshll.u32 s1, $0x11  }
0xc3: {  	s0 =	sor.u32 s1, s0  }
0xc4: {  	s0 =	sadd.s32 $0x8F2B, s0  }
0xc5: {  	[sflag:s0] =	ssyncadd.remote.s32 $0x1  }
0xc6: {  	_ =	sfence.sel $0xFFFF  }
0xc7: {  	[dreg:$0x0] =	wrdreg $0xFFFFFFFF;
	(pc) =	sbr.abs _section_cstart, $3  }
0xc8: {  	[dreg:$0x1] =	wrdreg $0xFFFFFFFF  }
0xc9: {  	_ =	task.clear_ibuf [dreg:s9], $0x2FFFF;
	_ =	strace $0x9FFFFFFF  }
0xca: {  	(tm) =	ssettm $0x7FFFFFFF  }
0xcb: {  	_ =	shalt  }
tec
execute0_lowered:
.L_overlay_start_1:
0x0: {  	(tag) =	ssettag $0x1  }
0x1: {  	s14 =	rddreg [dreg:$0x0]  }
0x2: {  	s9 =	rddreg [dreg:$0x1]  }
0x3: {  	s0 =	rddreg [dreg:$0x2]  }
0x4: {  	s1 =	rddreg [dreg:$0x3];
	s3 =	simm.s32 $0x0  }
0x5: {  	[smem:$0x7FF] =	sst s3;
	s2 =	sadd.s32 $0x100, s14  }
0x6: {  	s11 =	sadd.s32 $0x200, s14;
	_ =	strace $0x80000047;
	[dreg:$0x5] =	wrdreg s2  }
0x7: {  	s12 =	sadd.s32 $0x300, s14;
	[dreg:$0x6] =	wrdreg s11  }
0x8: {  	s4 =	srdreg.scid;
	s13 =	sadd.s32 $0x400, s14;
	[dreg:$0x7] =	wrdreg s12  }
0x9: {  	s10 =	stileid.u32;
	s15 =	sadd.s32 $0x500, s14;
	[dreg:$0x8] =	wrdreg s13  }
0xa: {  	s4 =	sand.u32 $0x1, s4;
	s16 =	sadd.s32 $0x600, s14;
	[dreg:$0x9] =	wrdreg s15  }
0xb: {  	s5 =	sshll.u32 s10, $0x1;
	s17 =	sadd.s32 $0x700, s14;
	[dreg:$0xa] =	wrdreg s16  }
0xc: {  	s18 =	sadd.s32 $0x800, s14;
	s19 =	sadd.s32 $0x900, s14;
	[dreg:$0xb] =	wrdreg s17  }
0xd: {  	s20 =	sadd.s32 $0xA00, s14;
	s21 =	sadd.s32 $0xB00, s14;
	[dreg:$0xc] =	wrdreg s18  }
0xe: {  	s22 =	sadd.s32 $0xC00, s14;
	s23 =	sadd.s32 $0xD00, s14;
	[dreg:$0xd] =	wrdreg s19  }
0xf: {  	s24 =	sadd.s32 $0xE00, s14;
	s25 =	sadd.s32 $0xF00, s14;
	[dreg:$0xe] =	wrdreg s20  }
0x10: {  	s28 =	sadd.s32 $0x8F00, s0;
	s29 =	sadd.s32 $0x9000, s0;
	[dreg:$0xf] =	wrdreg s21  }
0x11: {  	s30 =	sadd.s32 $0x9100, s0;
	s31 =	sadd.s32 $0x9200, s0;
	[dreg:$0x10] =	wrdreg s22  }
0x12: {  	p0 =	sgt.u32 s10, $0x1;
	s10 =	sadd.s32 $0xB00, s9;
	[dreg:$0x11] =	wrdreg s23  }
0x13: {  	s5 =	sor.u32 s4, s5;
	s13 =	sadd.s32 $0x8600, s0;
	[dreg:$0x12] =	wrdreg s24  }
0x14: {  	s4 =	ssub.s32 $0x2, s4;
	[dreg:$0x13] =	wrdreg s25;
	s15 =	sadd.s32 $0x8700, s0  }
0x15: {  	s16 =	sadd.s32 $0x8800, s0;
	s11 =	sadd.s32 $0x200, s9;
	[smem:$0x7F9] =	sst s10  }
0x16: {  	s17 =	sadd.s32 $0x8900, s0;
	s12 =	sadd.s32 $0x300, s9;
	[dreg:$0x1a] =	wrdreg s11  }
0x17: {  	s18 =	sadd.s32 $0x8A00, s0;
	s25 =	sadd.s32 $0x400, s9;
	[dreg:$0x1b] =	wrdreg s12  }
0x18: {  	s19 =	sadd.s32 $0x8B00, s0;
	s2 =	sadd.s32 $0x600, s9;
	[dreg:$0x1c] =	wrdreg s25  }
0x19: {  	s20 =	sadd.s32 $0x8C00, s0;
	[dreg:$0x1e] =	wrdreg s2;
	s11 =	sadd.s32 $0xC00, s9  }
0x1a: {  	s6 =	sshll.u32 s5, $0x9;
	s12 =	sadd.s32 $0xD00, s9;
	[smem:$0x7FA] =	sst s11  }
0x1b: {  	s5 =	sshll.u32 s5, $0x5;
	s25 =	sadd.s32 $0xE00, s9;
	[smem:$0x7FB] =	sst s12  }
0x1c: {  	s6 =	sadd.s32 s6, s0;
	s1 =	sadd.s32 s1, s5;
	[smem:$0x7FC] =	sst s25  }
0x1d: {  	s7 =	sadd.s32 s5, s0;
	s5 =	sadd.s32 $0x800, s9;
	[dreg:$0x16] =	wrdreg s1  }
0x1e: {  	s22 =	sadd.s32 $0x8D00, s0;
	s26 =	sadd.s32 $0x400, s6;
	[smem:$0x7F6] =	sst s5  }
0x1f: {  	s8 =	sshrl.u32 s4, $0x1;
	s6 =	sadd.s32 $0x4600, s6;
	[dreg:$0x14] =	wrdreg s26  }
0x20: {  	s4 =	ssub.s32 s4, s8;
	s7 =	sadd.s32 $0x4400, s7;
	[dreg:$0x15] =	wrdreg s6  }
0x21: {  	s23 =	sadd.s32 $0x8E00, s0;
	s8 =	smax.u32 s4, $0x1;
	[dreg:$0x17] =	wrdreg s7  }
0x22: {  	s21 =	sadd.s32 $0x9400, s0;
	s4 =	sadd.s32 $0x700, s9;
	[dreg:$0x18] =	wrdreg s8  }
0x23: {  	s24 =	sadd.s32 $0x9500, s0;
	s26 =	sadd.s32 $0x500, s9;
	[dreg:$0x1f] =	wrdreg s4  }
.Ltmp0:
0x24: {  	s8 =	sadd.s32 $0xA00, s9;
	[dreg:$0x1d] =	wrdreg s26;
	(pc) =	sbr.rel .LBB2_1-.Ltmp0, $4  }
0x25: {  	s6 =	sadd.s32 $0x9300, s0;
	s7 =	sadd.s32 $0x100, s9;
	[smem:$0x7F8] =	sst s8  }
0x26: {  	v0 =	vlaneseq.u32;
	s0 =	smov.u32 s6;
	s6 =	sadd.s32 $0x900, s9;
	[dreg:$0x19] =	wrdreg s7  }
0x27: {  	v1 =	vshrl.u32 v0, $0x3;
	s26 =	sadd.s32 $0xF00, s9;
	[smem:$0x7F7] =	sst s6  }
0x28: {  	vm0 =	vmmov $0xffff;
	v0 =	vand.u32 $0x7, v0;
	v1 =	vmul.u32 $0x8, v1;
	s1 =	simm.s32 $0x0;
	[smem:$0x7FD] =	sst s26  }
.LBB2_6:
0x29: {  	s1 =	sld [smem:$0x7F5];
	_ =	sdelay $0x2  }
0x2a: {  	s4 =	rddreg [dreg:$0x18];
	s1 =	sadd.s32 $0x1, s1  }
0x2b: {  	p1 =	sne.s32 s1, s4  }
.Ltmp1:
0x2c: {  	_ = 	snop;
	(pc) =	sbr.rel @!p1 .LBB2_7-.Ltmp1, $1  }
0x2d: {  	_ =	sdelay $0x3  }
.LBB2_1:
0x2e: {  	[smem:$0x7F5] =	sst s1  }
0x2f: {  	s11 =	rddreg [dreg:$0x14];
	s4 =	simm.s32 $0x3  }
0x30: {  	[tilespmem:s3], [sflag:$0x3] =	stream.linear.gather [hbm4b:s11+s3], $0x1000, $0x38;
	[tilespmem:$0xA200] =	vst v63  }
0x31: {  	_ =	swait.ge [sflag:s4], $0x1000  }
0x32: {  	[sflag:s4] =	ssyncset.done $0x0  }
0x33: {  	s6 =	simm.s32 $0x1000;
	s26 =	rddreg [dreg:$0x15];
	[sflag:s4] =	ssyncadd.s32 $0xFFFFF000  }
0x34: {  	[tilespmem:s6], [sflag:$0x3] =	stream.linear.gather [hbm4b:s26+s3], $0x1000, $0x38;
	[tilespmem:$0xA200] =	vst v63  }
0x35: {  	s2 =	simm.s32 $0x5200;
	_ =	swait.ge [sflag:s4], $0x1000  }
0x36: {  	s5 =	simm.s32 $0x5A00;
	s11 =	simm.s32 $0x0;
	[sflag:s4] =	ssyncset.done $0x0  }
0x37: {  	s6 =	simm.s32 $0x2200;
	s26 =	simm.s32 $0x6200;
	[sflag:s4] =	ssyncadd.s32 $0xFFFFF000  }
.LBB2_2:
0x38: {  	s12 =	sshra.s32 s11, $0x2  }
0x39: {  	v2 =	vld.msk [tilespmem:s12+$0x0], $0xff;
	_ =	sdelay $0x4  }
0x3a: {  	v3 =	vshll.u32 v2, $0x5  }
0x3b: {  	v2 =	vand.u32 $0x7, v2;
	v3 =	vand.u32 $0xFFFFFF00, v3  }
0x3c: {  	v2 =	vor.u32 v2, v3  }
0x3d: {  	v2 =	vperm.xlane v2, v0;
	_ =	sdelay $0x1  }
0x3e: {  	v2 =	vadd.s32 v1, v2;
	_ =	sdelay $0x4  }
0x3f: {  	[tilespmem:s6], [sflag:$0x1] =	stream.indirect_vreg.gather [hbm4b:s14+s3], $0x80, v2, vm0, $0xb8;
	[tilespmem:$0xA200] =	vst v63  }
0x40: {  	s8 =	rddreg [dreg:$0x5];
	s1 =	simm.s32 $0x2A00  }
0x41: {  	[tilespmem:s1], [sflag:$0x1] =	stream.indirect_vreg.gather [hbm4b:s8+s3], $0x80, v2, vm0, $0xb8;
	[tilespmem:$0xA200] =	vst v63  }
0x42: {  	s9 =	rddreg [dreg:$0x6];
	s25 =	simm.s32 $0x3200  }
0x43: {  	[tilespmem:s25], [sflag:$0x1] =	stream.indirect_vreg.gather [hbm4b:s9+s3], $0x80, v2, vm0, $0xb8;
	[tilespmem:$0xA200] =	vst v63  }
0x44: {  	s10 =	rddreg [dreg:$0x7];
	s8 =	simm.s32 $0x3A00  }
0x45: {  	[tilespmem:s8], [sflag:$0x1] =	stream.indirect_vreg.gather [hbm4b:s10+s3], $0x80, v2, vm0, $0xb8;
	[tilespmem:$0xA200] =	vst v63  }
0x46: {  	s7 =	rddreg [dreg:$0x8];
	s25 =	simm.s32 $0x4200  }
0x47: {  	[tilespmem:s25], [sflag:$0x1] =	stream.indirect_vreg.gather [hbm4b:s7+s3], $0x80, v2, vm0, $0xb8;
	[tilespmem:$0xA200] =	vst v63  }
0x48: {  	s4 =	smov.u32 s31;
	s1 =	simm.s32 $0x4A00;
	s9 =	rddreg [dreg:$0x9]  }
0x49: {  	[tilespmem:s1], [sflag:$0x1] =	stream.indirect_vreg.gather [hbm4b:s9+s3], $0x80, v2, vm0, $0xb8;
	[tilespmem:$0xA200] =	vst v63  }
0x4a: {  	s31 =	smov.u32 s29;
	s29 =	smov.u32 s23;
	s10 =	rddreg [dreg:$0xa]  }
0x4b: {  	[tilespmem:s2], [sflag:$0x1] =	stream.indirect_vreg.gather [hbm4b:s10+s3], $0x80, v2, vm0, $0xb8;
	[tilespmem:$0xA200] =	vst v63  }
0x4c: {  	s23 =	smov.u32 s20;
	s20 =	smov.u32 s18;
	s7 =	rddreg [dreg:$0xb]  }
0x4d: {  	[tilespmem:s5], [sflag:$0x1] =	stream.indirect_vreg.gather [hbm4b:s7+s3], $0x80, v2, vm0, $0xb8;
	[tilespmem:$0xA200] =	vst v63  }
0x4e: {  	s18 =	smov.u32 s16;
	s6 =	smov.u32 s22;
	s8 =	rddreg [dreg:$0xc]  }
0x4f: {  	[tilespmem:s26], [sflag:$0x1] =	stream.indirect_vreg.gather [hbm4b:s8+s3], $0x80, v2, vm0, $0xb8;
	[tilespmem:$0xA200] =	vst v63  }
0x50: {  	s22 =	smov.u32 s19;
	s9 =	rddreg [dreg:$0xd];
	s10 =	simm.s32 $0x6A00  }
0x51: {  	[tilespmem:s10], [sflag:$0x1] =	stream.indirect_vreg.gather [hbm4b:s9+s3], $0x80, v2, vm0, $0xb8;
	[tilespmem:$0xA200] =	vst v63  }
0x52: {  	s19 =	smov.u32 s17;
	s2 =	rddreg [dreg:$0xe];
	s7 =	simm.s32 $0x7200  }
0x53: {  	[tilespmem:s7], [sflag:$0x1] =	stream.indirect_vreg.gather [hbm4b:s2+s3], $0x80, v2, vm0, $0xb8;
	[tilespmem:$0xA200] =	vst v63  }
0x54: {  	s17 =	smov.u32 s15;
	s5 =	rddreg [dreg:$0xf];
	s9 =	simm.s32 $0x7A00  }
0x55: {  	[tilespmem:s9], [sflag:$0x1] =	stream.indirect_vreg.gather [hbm4b:s5+s3], $0x80, v2, vm0, $0xb8;
	[tilespmem:$0xA200] =	vst v63  }
0x56: {  	s15 =	smov.u32 s14;
	s14 =	rddreg [dreg:$0x10];
	s2 =	simm.s32 $0x8200  }
0x57: {  	[tilespmem:s2], [sflag:$0x1] =	stream.indirect_vreg.gather [hbm4b:s14+s3], $0x80, v2, vm0, $0xb8;
	[tilespmem:$0xA200] =	vst v63  }
0x58: {  	s16 =	smov.u32 s13;
	s13 =	rddreg [dreg:$0x11];
	s26 =	simm.s32 $0x8A00  }
0x59: {  	[tilespmem:s26], [sflag:$0x1] =	stream.indirect_vreg.gather [hbm4b:s13+s3], $0x80, v2, vm0, $0xb8;
	[tilespmem:$0xA200] =	vst v63  }
0x5a: {  	s5 =	simm.s32 $0x9200;
	s14 =	rddreg [dreg:$0x12]  }
0x5b: {  	[tilespmem:s5], [sflag:$0x1] =	stream.indirect_vreg.gather [hbm4b:s14+s3], $0x80, v2, vm0, $0xb8;
	[tilespmem:$0xA200] =	vst v63  }
0x5c: {  	s8 =	simm.s32 $0x9A00;
	s13 =	rddreg [dreg:$0x13]  }
0x5d: {  	[tilespmem:s8], [sflag:$0x1] =	stream.indirect_vreg.gather [hbm4b:s13+s3], $0x80, v2, vm0, $0xb8;
	[tilespmem:$0xA200] =	vst v63  }
0x5e: {  	s8 =	simm.s32 $0x1  }
0x5f: {  	_ =	swait.ge [sflag:s8], $0x8000  }
0x60: {  	[sflag:s8] =	ssyncset.done $0x0  }
0x61: {  	[sflag:s8] =	ssyncadd.s32 $0xFFFF8000  }
0x62: {  	v2 =	vld.msk [tilespmem:s12+$0x1000], $0xff;
	_ =	sdelay $0x4  }
0x63: {  	v3 =	vshll.u32 v2, $0x5  }
0x64: {  	v2 =	vand.u32 $0x7, v2;
	v3 =	vand.u32 $0xFFFFFF00, v3  }
0x65: {  	v2 =	vor.u32 v2, v3  }
0x66: {  	v2 =	vperm.xlane v2, v0;
	_ =	sdelay $0x1  }
0x67: {  	v2 =	vadd.s32 v1, v2;
	_ =	sdelay $0x1  }
0x68: {  	s14 =	smov.u32 s15  }
0x69: {  	s15 =	smov.u32 s17;
	s17 =	smov.u32 s19;
	s19 =	smov.u32 s22  }
0x6a: {  	s22 =	smov.u32 s6;
	s6 =	simm.s32 $0x2200;
	s13 =	smov.u32 s16  }
0x6b: {  	[hbm4b:s13+s3] =	stream.indirect_vreg.scatter [tilespmem:s6], [sflag:$0x2], $0x80, v2, vm0, $0xb8;
	[tilespmem:$0xA200] =	vst v63  }
0x6c: {  	s12 =	simm.s32 $0x2A00  }
0x6d: {  	[hbm4b:s15+s3] =	stream.indirect_vreg.scatter [tilespmem:s12], [sflag:$0x2], $0x80, v2, vm0, $0xb8;
	[tilespmem:$0xA200] =	vst v63  }
0x6e: {  	s16 =	smov.u32 s18;
	s8 =	simm.s32 $0x3200  }
0x6f: {  	[hbm4b:s16+s3] =	stream.indirect_vreg.scatter [tilespmem:s8], [sflag:$0x2], $0x80, v2, vm0, $0xb8;
	[tilespmem:$0xA200] =	vst v63  }
0x70: {  	s12 =	simm.s32 $0x3A00  }
0x71: {  	[hbm4b:s17+s3] =	stream.indirect_vreg.scatter [tilespmem:s12], [sflag:$0x2], $0x80, v2, vm0, $0xb8;
	[tilespmem:$0xA200] =	vst v63  }
0x72: {  	s18 =	smov.u32 s20  }
0x73: {  	[hbm4b:s18+s3] =	stream.indirect_vreg.scatter [tilespmem:s25], [sflag:$0x2], $0x80, v2, vm0, $0xb8;
	[tilespmem:$0xA200] =	vst v63  }
0x74: {  	s20 =	smov.u32 s23;
	s23 =	smov.u32 s29  }
0x75: {  	[hbm4b:s19+s3] =	stream.indirect_vreg.scatter [tilespmem:s1], [sflag:$0x2], $0x80, v2, vm0, $0xb8;
	[tilespmem:$0xA200] =	vst v63  }
0x76: {  	s29 =	smov.u32 s31;
	s31 =	smov.u32 s4;
	s4 =	simm.s32 $0x5200  }
0x77: {  	[hbm4b:s20+s3] =	stream.indirect_vreg.scatter [tilespmem:s4], [sflag:$0x2], $0x80, v2, vm0, $0xb8;
	[tilespmem:$0xA200] =	vst v63  }
0x78: {  	s5 =	simm.s32 $0x5A00  }
0x79: {  	[hbm4b:s22+s3] =	stream.indirect_vreg.scatter [tilespmem:s5], [sflag:$0x2], $0x80, v2, vm0, $0xb8;
	[tilespmem:$0xA200] =	vst v63  }
0x7a: {  	s26 =	simm.s32 $0x6200  }
0x7b: {  	[hbm4b:s23+s3] =	stream.indirect_vreg.scatter [tilespmem:s26], [sflag:$0x2], $0x80, v2, vm0, $0xb8;
	[tilespmem:$0xA200] =	vst v63  }
0x7c: {  	_ = 	snop  }
0x7d: {  	[hbm4b:s28+s3] =	stream.indirect_vreg.scatter [tilespmem:s10], [sflag:$0x2], $0x80, v2, vm0, $0xb8;
	[tilespmem:$0xA200] =	vst v63  }
0x7e: {  	_ = 	snop  }
0x7f: {  	[hbm4b:s29+s3] =	stream.indirect_vreg.scatter [tilespmem:s7], [sflag:$0x2], $0x80, v2, vm0, $0xb8;
	[tilespmem:$0xA200] =	vst v63  }
0x80: {  	_ = 	snop  }
0x81: {  	[hbm4b:s30+s3] =	stream.indirect_vreg.scatter [tilespmem:s9], [sflag:$0x2], $0x80, v2, vm0, $0xb8;
	[tilespmem:$0xA200] =	vst v63  }
0x82: {  	_ = 	snop  }
0x83: {  	[hbm4b:s31+s3] =	stream.indirect_vreg.scatter [tilespmem:s2], [sflag:$0x2], $0x80, v2, vm0, $0xb8;
	[tilespmem:$0xA200] =	vst v63  }
0x84: {  	s8 =	simm.s32 $0x8A00  }
0x85: {  	[hbm4b:s0+s3] =	stream.indirect_vreg.scatter [tilespmem:s8], [sflag:$0x2], $0x80, v2, vm0, $0xb8;
	[tilespmem:$0xA200] =	vst v63  }
0x86: {  	p1 =	sne.s32 s11, $0x3E00;
	s10 =	simm.s32 $0x9200  }
0x87: {  	[hbm4b:s21+s3] =	stream.indirect_vreg.scatter [tilespmem:s10], [sflag:$0x2], $0x80, v2, vm0, $0xb8;
	[tilespmem:$0xA200] =	vst v63  }
.Ltmp2:
0x88: {  	s12 =	simm.s32 $0x9A00;
	s25 =	simm.s32 $0x2;
	(pc) =	sbr.rel @p1 .LBB2_2-.Ltmp2, $4  }
0x89: {  	[hbm4b:s24+s3] =	stream.indirect_vreg.scatter [tilespmem:s12], [sflag:$0x2], $0x80, v2, vm0, $0xb8;
	[tilespmem:$0xA200] =	vst v63  }
0x8a: {  	_ =	swait.ge [sflag:s25], $0x8000  }
0x8b: {  	[sflag:s25] =	ssyncset.done $0x0  }
0x8c: {  	s11 =	sadd.s32 $0x200, s11;
	s2 =	simm.s32 $0x5200;
	[sflag:s25] =	ssyncadd.s32 $0xFFFF8000  }
0x8d: {  	s1 =	rddreg [dreg:$0x1]  }
0x8e: {  	s7 =	rddreg [dreg:$0x19]  }
0x8f: {  	s6 =	rddreg [dreg:$0x1b]  }
.Ltmp3:
0x90: {  	s8 =	rddreg [dreg:$0x1c];
	(pc) =	sbr.rel @p0 .LBB2_6-.Ltmp3, $4  }
0x91: {  	s25 =	rddreg [dreg:$0x1d]  }
0x92: {  	s26 =	rddreg [dreg:$0x1e]  }
0x93: {  	s9 =	rddreg [dreg:$0x1f]  }
0x94: {  	s10 =	sld [smem:$0x7F6]  }
0x95: {  	s11 =	simm.s32 $0x0;
	s4 =	rddreg [dreg:$0x16];
	s12 =	simm.s32 $0x2000  }
0x96: {  	[tilespmem:s12], [sflag:$0x3] =	stream.linear.gather [hbm4b:s4+s11], $0x100, $0x38;
	[tilespmem:$0xA200] =	vst v63  }
0x97: {  	s12 =	simm.s32 $0x3  }
0x98: {  	_ =	swait.ge [sflag:s12], $0x100  }
0x99: {  	[sflag:s12] =	ssyncset.done $0x0  }
0x9a: {  	s4 =	rddreg [dreg:$0x17];
	[sflag:s12] =	ssyncadd.s32 $0xFFFFFF00;
	s12 =	simm.s32 $0x2100  }
0x9b: {  	[tilespmem:s12], [sflag:$0x3] =	stream.linear.gather [hbm4b:s4+s11], $0x100, $0x38;
	[tilespmem:$0xA200] =	vst v63  }
0x9c: {  	s4 =	simm.s32 $0x3  }
0x9d: {  	_ =	swait.ge [sflag:s4], $0x100  }
0x9e: {  	[sflag:s4] =	ssyncset.done $0x0;
	s4 =	simm.s32 $0x3  }
0x9f: {  	p1 =	por $0x1, $0x1;
	s12 =	simm.s32 $0x2200;
	[sflag:s4] =	ssyncadd.s32 $0xFFFFFF00  }
.LBB2_5:
0xa0: {  	v2 =	vld.msk [tilespmem:s11+$0x2000], $0xff;
	_ =	sdelay $0x4  }
0xa1: {  	v3 =	vshll.u32 v2, $0x5  }
0xa2: {  	v2 =	vand.u32 $0x7, v2;
	v3 =	vand.u32 $0xFFFFFF00, v3  }
0xa3: {  	v2 =	vor.u32 v2, v3  }
0xa4: {  	v2 =	vperm.xlane v2, v0;
	_ =	sdelay $0x1  }
0xa5: {  	v2 =	vadd.s32 v1, v2;
	_ =	sdelay $0x4  }
0xa6: {  	[tilespmem:s12], [sflag:$0x1] =	stream.indirect_vreg.gather [hbm4b:s1+s3], $0x80, v2, vm0, $0xb8;
	[tilespmem:$0xA200] =	vst v63  }
0xa7: {  	s4 =	simm.s32 $0x2A00  }
0xa8: {  	[tilespmem:s4], [sflag:$0x1] =	stream.indirect_vreg.gather [hbm4b:s7+s3], $0x80, v2, vm0, $0xb8;
	[tilespmem:$0xA200] =	vst v63  }
0xa9: {  	s12 =	simm.s32 $0x3200;
	s4 =	rddreg [dreg:$0x1a]  }
0xaa: {  	[tilespmem:s12], [sflag:$0x1] =	stream.indirect_vreg.gather [hbm4b:s4+s3], $0x80, v2, vm0, $0xb8;
	[tilespmem:$0xA200] =	vst v63  }
0xab: {  	s12 =	simm.s32 $0x3A00  }
0xac: {  	[tilespmem:s12], [sflag:$0x1] =	stream.indirect_vreg.gather [hbm4b:s6+s3], $0x80, v2, vm0, $0xb8;
	[tilespmem:$0xA200] =	vst v63  }
0xad: {  	s12 =	simm.s32 $0x4200  }
0xae: {  	[tilespmem:s12], [sflag:$0x1] =	stream.indirect_vreg.gather [hbm4b:s8+s3], $0x80, v2, vm0, $0xb8;
	[tilespmem:$0xA200] =	vst v63  }
0xaf: {  	s12 =	simm.s32 $0x4A00  }
0xb0: {  	[tilespmem:s12], [sflag:$0x1] =	stream.indirect_vreg.gather [hbm4b:s25+s3], $0x80, v2, vm0, $0xb8;
	[tilespmem:$0xA200] =	vst v63  }
0xb1: {  	_ = 	snop  }
0xb2: {  	[tilespmem:s2], [sflag:$0x1] =	stream.indirect_vreg.gather [hbm4b:s26+s3], $0x80, v2, vm0, $0xb8;
	[tilespmem:$0xA200] =	vst v63  }
0xb3: {  	_ = 	snop  }
0xb4: {  	[tilespmem:s5], [sflag:$0x1] =	stream.indirect_vreg.gather [hbm4b:s9+s3], $0x80, v2, vm0, $0xb8;
	[tilespmem:$0xA200] =	vst v63  }
0xb5: {  	s4 =	simm.s32 $0x6200;
	s5 =	sld [smem:$0x7F7]  }
0xb6: {  	[tilespmem:s4], [sflag:$0x1] =	stream.indirect_vreg.gather [hbm4b:s10+s3], $0x80, v2, vm0, $0xb8;
	[tilespmem:$0xA200] =	vst v63  }
0xb7: {  	s12 =	simm.s32 $0x6A00  }
0xb8: {  	[tilespmem:s12], [sflag:$0x1] =	stream.indirect_vreg.gather [hbm4b:s5+s3], $0x80, v2, vm0, $0xb8;
	[tilespmem:$0xA200] =	vst v63  }
0xb9: {  	s5 =	sld [smem:$0x7F8];
	_ =	sdelay $0x1  }
0xba: {  	s12 =	simm.s32 $0x7200  }
0xbb: {  	[tilespmem:s12], [sflag:$0x1] =	stream.indirect_vreg.gather [hbm4b:s5+s3], $0x80, v2, vm0, $0xb8;
	[tilespmem:$0xA200] =	vst v63  }
0xbc: {  	s4 =	smov.u32 s10;
	s5 =	sld [smem:$0x7F9]  }
0xbd: {  	s10 =	smov.u32 s9;
	s9 =	smov.u32 s26;
	s26 =	smov.u32 s6  }
0xbe: {  	s6 =	smov.u32 s1;
	s1 =	sld [smem:$0x7FA];
	s12 =	simm.s32 $0x7A00  }
0xbf: {  	[tilespmem:s12], [sflag:$0x1] =	stream.indirect_vreg.gather [hbm4b:s5+s3], $0x80, v2, vm0, $0xb8;
	[tilespmem:$0xA200] =	vst v63  }
0xc0: {  	s2 =	simm.s32 $0x8200  }
0xc1: {  	[tilespmem:s2], [sflag:$0x1] =	stream.indirect_vreg.gather [hbm4b:s1+s3], $0x80, v2, vm0, $0xb8;
	[tilespmem:$0xA200] =	vst v63  }
0xc2: {  	s2 =	sld [smem:$0x7FB];
	_ =	sdelay $0x1  }
0xc3: {  	s12 =	simm.s32 $0x8A00  }
0xc4: {  	[tilespmem:s12], [sflag:$0x1] =	stream.indirect_vreg.gather [hbm4b:s2+s3], $0x80, v2, vm0, $0xb8;
	[tilespmem:$0xA200] =	vst v63  }
0xc5: {  	s2 =	sld [smem:$0x7FC];
	_ =	sdelay $0x1  }
0xc6: {  	s5 =	simm.s32 $0x9200;
	s1 =	sld [smem:$0x7FD]  }
0xc7: {  	[tilespmem:s5], [sflag:$0x1] =	stream.indirect_vreg.gather [hbm4b:s2+s3], $0x80, v2, vm0, $0xb8;
	[tilespmem:$0xA200] =	vst v63  }
0xc8: {  	s2 =	simm.s32 $0x9A00  }
0xc9: {  	[tilespmem:s2], [sflag:$0x1] =	stream.indirect_vreg.gather [hbm4b:s1+s3], $0x80, v2, vm0, $0xb8;
	[tilespmem:$0xA200] =	vst v63  }
0xca: {  	s2 =	simm.s32 $0x1  }
0xcb: {  	_ =	swait.ge [sflag:s2], $0x8000  }
0xcc: {  	[sflag:s2] =	ssyncset.done $0x0  }
0xcd: {  	[sflag:s2] =	ssyncadd.s32 $0xFFFF8000  }
0xce: {  	v2 =	vld.msk [tilespmem:s11+$0x2100], $0xff;
	_ =	sdelay $0x4  }
0xcf: {  	v3 =	vshll.u32 v2, $0x5  }
0xd0: {  	v2 =	vand.u32 $0x7, v2;
	v3 =	vand.u32 $0xFFFFFF00, v3  }
0xd1: {  	v2 =	vor.u32 v2, v3  }
0xd2: {  	v2 =	vperm.xlane v2, v0;
	_ =	sdelay $0x1  }
0xd3: {  	v2 =	vadd.s32 v1, v2;
	_ =	sdelay $0x3  }
0xd4: {  	s12 =	simm.s32 $0x2200  }
0xd5: {  	[hbm4b:s13+s3] =	stream.indirect_vreg.scatter [tilespmem:s12], [sflag:$0x2], $0x80, v2, vm0, $0xb8;
	[tilespmem:$0xA200] =	vst v63  }
0xd6: {  	s11 =	simm.s32 $0x2A00  }
0xd7: {  	[hbm4b:s15+s3] =	stream.indirect_vreg.scatter [tilespmem:s11], [sflag:$0x2], $0x80, v2, vm0, $0xb8;
	[tilespmem:$0xA200] =	vst v63  }
0xd8: {  	s2 =	simm.s32 $0x3200  }
0xd9: {  	[hbm4b:s16+s3] =	stream.indirect_vreg.scatter [tilespmem:s2], [sflag:$0x2], $0x80, v2, vm0, $0xb8;
	[tilespmem:$0xA200] =	vst v63  }
0xda: {  	s11 =	simm.s32 $0x3A00  }
0xdb: {  	[hbm4b:s17+s3] =	stream.indirect_vreg.scatter [tilespmem:s11], [sflag:$0x2], $0x80, v2, vm0, $0xb8;
	[tilespmem:$0xA200] =	vst v63  }
0xdc: {  	s2 =	simm.s32 $0x4200  }
0xdd: {  	[hbm4b:s18+s3] =	stream.indirect_vreg.scatter [tilespmem:s2], [sflag:$0x2], $0x80, v2, vm0, $0xb8;
	[tilespmem:$0xA200] =	vst v63  }
0xde: {  	s11 =	simm.s32 $0x4A00  }
0xdf: {  	[hbm4b:s19+s3] =	stream.indirect_vreg.scatter [tilespmem:s11], [sflag:$0x2], $0x80, v2, vm0, $0xb8;
	[tilespmem:$0xA200] =	vst v63  }
0xe0: {  	s2 =	simm.s32 $0x5200  }
0xe1: {  	[hbm4b:s20+s3] =	stream.indirect_vreg.scatter [tilespmem:s2], [sflag:$0x2], $0x80, v2, vm0, $0xb8;
	[tilespmem:$0xA200] =	vst v63  }
0xe2: {  	s5 =	simm.s32 $0x5A00  }
0xe3: {  	[hbm4b:s22+s3] =	stream.indirect_vreg.scatter [tilespmem:s5], [sflag:$0x2], $0x80, v2, vm0, $0xb8;
	[tilespmem:$0xA200] =	vst v63  }
0xe4: {  	s11 =	simm.s32 $0x6200  }
0xe5: {  	[hbm4b:s23+s3] =	stream.indirect_vreg.scatter [tilespmem:s11], [sflag:$0x2], $0x80, v2, vm0, $0xb8;
	[tilespmem:$0xA200] =	vst v63  }
0xe6: {  	s11 =	simm.s32 $0x6A00  }
0xe7: {  	[hbm4b:s28+s3] =	stream.indirect_vreg.scatter [tilespmem:s11], [sflag:$0x2], $0x80, v2, vm0, $0xb8;
	[tilespmem:$0xA200] =	vst v63  }
0xe8: {  	s11 =	simm.s32 $0x7200  }
0xe9: {  	[hbm4b:s29+s3] =	stream.indirect_vreg.scatter [tilespmem:s11], [sflag:$0x2], $0x80, v2, vm0, $0xb8;
	[tilespmem:$0xA200] =	vst v63  }
0xea: {  	s11 =	simm.s32 $0x7A00  }
0xeb: {  	[hbm4b:s30+s3] =	stream.indirect_vreg.scatter [tilespmem:s11], [sflag:$0x2], $0x80, v2, vm0, $0xb8;
	[tilespmem:$0xA200] =	vst v63  }
0xec: {  	s11 =	simm.s32 $0x8200  }
0xed: {  	[hbm4b:s31+s3] =	stream.indirect_vreg.scatter [tilespmem:s11], [sflag:$0x2], $0x80, v2, vm0, $0xb8;
	[tilespmem:$0xA200] =	vst v63  }
0xee: {  	s1 =	simm.s32 $0x8A00  }
0xef: {  	[hbm4b:s0+s3] =	stream.indirect_vreg.scatter [tilespmem:s1], [sflag:$0x2], $0x80, v2, vm0, $0xb8;
	[tilespmem:$0xA200] =	vst v63  }
0xf0: {  	s11 =	simm.s32 $0x9200  }
0xf1: {  	[hbm4b:s21+s3] =	stream.indirect_vreg.scatter [tilespmem:s11], [sflag:$0x2], $0x80, v2, vm0, $0xb8;
	[tilespmem:$0xA200] =	vst v63  }
0xf2: {  	p2 =	por p1, p1;
	s11 =	simm.s32 $0x9A00  }
0xf3: {  	[hbm4b:s24+s3] =	stream.indirect_vreg.scatter [tilespmem:s11], [sflag:$0x2], $0x80, v2, vm0, $0xb8;
	[tilespmem:$0xA200] =	vst v63  }
.Ltmp4:
0xf4: {  	_ = 	snop;
	(pc) =	sbr.rel @p2 .LBB2_5-.Ltmp4, $4  }
0xf5: {  	p1 =	por $0x0, $0x0;
	s2 =	simm.s32 $0x5200;
	s11 =	simm.s32 $0x2  }
0xf6: {  	s1 =	smov.u32 s6;
	s6 =	smov.u32 s26;
	_ =	swait.ge [sflag:s11], $0x8000  }
0xf7: {  	s26 =	smov.u32 s9;
	s9 =	smov.u32 s10;
	[sflag:s11] =	ssyncset.done $0x0  }
0xf8: {  	s10 =	smov.u32 s4;
	[sflag:s11] =	ssyncadd.s32 $0xFFFF8000;
	s11 =	simm.s32 $0x80  }
.Ltmp5:
0xf9: {  	_ = 	snop;
	(pc) =	sbr.rel .LBB2_6-.Ltmp5, $1  }
0xfa: {  	_ =	sdelay $0x3  }
.LBB2_7:
0xfb: {  	_ =	sfence.sel $0x180000  }
0xfc: {  	[bflag:$0x0] =	sbarrier.arrive $0xFFFF  }
0xfd: {  	_ =	strace $0x90000047  }
0xfe: {  	s0 =	stileid.u32;
	[bflag:$0x2] =	sbarrier.arrive $0xFFFF  }
0xff: {  	p0 =	sne.s32 s0, $0x0;
	s0 =	rddreg [dreg:$0x4]  }
0x100: {  	s0 =	sadd.s32 @!p0 $0x100000, s0  }
0x101: {  	[sflag:s0] =	ssyncadd.tile.s32 @!p0 $0x1;
	_ =	shalt  }
.Lfunc_end2:
_tile_overlayer_lowered:
.L_overlay_start_2:
0x102: {  	(tag) =	ssettag $0x2  }
0x103: {  	s0 =	rddreg [dreg:$0x0];
	s2 =	stileid.u32  }
0x104: {  	s1 =	rddreg [dreg:$0x1];
	p0 =	sne.s32 s2, $0x0  }
0x105: {  	s3 =	rddreg [dreg:$0x2];
	[bflag:$0x3] =	sbarrier.arrive $0xFFFF;
	s2 =	simm.s32 @!p0 $0x1C03  }
0x106: {  	[timem:s3], [sflag:s2] =	dma.local @!p0 [hbm:s0], s1  }
0x107: {  	s0 =	simm.s32 @!p0 $0x3  }
0x108: {  	_ =	swait.ge @!p0 [sflag:s0], s1  }
0x109: {  	s1 =	ssub.s32 @!p0 $0x0, s1;
	[sflag:s0] =	ssyncset.done @!p0 $0x0  }
0x10a: {  	[sflag:s0] =	ssyncadd.s32 @!p0 s1  }
0x10b: {  	[bflag:$0x3] =	sbarrier.arrive $0xFFFF  }
0x10c: {  	_ =	shalt  }

// kernel: sparse-core-data-format-call.cloned.1.call-start
scs
called_computation_lowered:
.L_overlay_start_0:
0x0: {  	s2 =	sld [smem:$0x3FD9]  }
0x1: {  	s3 =	sld [smem:$0x3FFE];
	_ =	sdelay $0x1  }
0x2: {  	s1 =	srdreg.scid  }
0x3: {  	s0 =	sand.u32 $0x1, s1  }
0x4: {  	s15 =	sshll.u32 s0, $0xA;
	s2 =	sadd.s32 s3, s2  }
0x5: {  	s2 =	sadd.s32 s2, s15  }
0x6: {  	[smem:$0x3FC0] =	sst s2  }
0x7: {  	_ = 	snop  }
0x8: {  	s2 =	sld [smem:$0x3FD0];
	_ =	sdelay $0x2  }
0x9: {  	s16 =	simm.s32 $0xA;
	s4 =	simm.s32 $0x10  }
0xa: {  	[smem:s4], [sflag:s16] =	dma.local [hbm:s2], $0x1  }
0xb: {  	_ =	swait.eq [sflag:s16], $0x1  }
0xc: {  	[sflag:s16] =	ssyncset.done $0x0  }
0xd: {  	[sflag:s16] =	ssyncadd.s32 $0xFFFFFFFF  }
0xe: {  	s17 =	sld [smem:$0x10];
	(tm) =	ssettm $0x1  }
0xf: {  	s18 =	sld [smem:$0x3FFB];
	_ =	sdelay $0x3  }
0x10: {  	_ =	strace s18  }
0x11: {  	s3 =	sld [smem:$0x3FFC];
	_ =	sdelay $0x3  }
0x12: {  	_ =	strace s3  }
0x13: {  	s3 =	sld [smem:$0x3FFD];
	_ =	sdelay $0x3  }
0x14: {  	_ =	strace s3  }
0x15: {  	_ =	strace $0x8FFFFFFF  }
0x16: {  	s19 =	sld [smem:$0x3FDB];
	_ =	sdelay $0x1  }
0x17: {  	s20 =	simm.s32 $_scs_section_size  }
0x18: {  	s5 =	simm.s32 $_size__tile_overlayer_lowered;
	s6 =	simm.s32 $_tile_overlayer_lowered  }
0x19: {  	s23 =	simm.s32 $0x1BFF;
	s22 =	sshll.u32 s6, $0x1;
	s3 =	sadd.s32 s20, s19  }
0x1a: {  	s7 =	simm.s32 $0x0;
	s21 =	sshll.u32 s5, $0x1;
	s5 =	sadd.s32 s22, s3  }
0x1b: {  	[timem:s7], [sflag:s23] =	dma.local [hbm:s5], s21  }
0x1c: {  	_ =	swait.ge [sflag:s23], s21  }
0x1d: {  	s4 =	ssub.s32 $0x0, s21;
	[sflag:s23] =	ssyncset.done $0x0  }
0x1e: {  	[sflag:s23] =	ssyncadd.s32 s4;
	_ =	sdelay $0x1  }
0x1f: {  	s24 =	simm.s32 $0x1B8B  }
0x20: {  	_ =	swait.ge [sflag:s24], $0x1  }
0x21: {  	[sflag:s24] =	ssyncset.done $0x0  }
0x22: {  	s26 =	simm.s32 $0x1B8E;
	s25 =	sld [smem:$0x3FFE];
	[sflag:s24] =	ssyncadd.s32 $0xFFFFFFFF  }
0x23: {  	s27 =	simm.s32 $execute0_lowered;
	[smem:$0x3FD2] =	sst s26  }
0x24: {  	s5 =	sshll.u32 s27, $0x1;
	_ =	strace $0x80000049;
	[dreg:$0x1] =	wrdreg $0xFFFFFFFF  }
0x25: {  	s28 =	simm.s32 $_size_execute0_lowered;
	s3 =	sadd.s32 s3, s5;
	[dreg:$0x0] =	wrdreg $0x0  }
0x26: {  	s5 =	sshll.u32 s28, $0x1;
	[dreg:$0x2] =	wrdreg s3  }
0x27: {  	[dreg:$0x3] =	wrdreg s5  }
0x28: {  	[dreg:$0x4] =	wrdreg $0xC0  }
0x29: {  	_ =	task [dreg:s7], $0x5FFFF  }
0x2a: {  	[dreg:$0x1] =	wrdreg $0xFFFFFFFF  }
0x2b: {  	[dreg:$0x0] =	wrdreg $0x60  }
0x2c: {  	[dreg:$0x2] =	wrdreg s25  }
0x2d: {  	[dreg:$0x3] =	wrdreg s17  }
0x2e: {  	[dreg:$0x4] =	wrdreg $0x9  }
0x2f: {  	_ =	task.clear_ibuf [dreg:s7], $0x5FFFF;
	_ =	strace $0x90000049  }
0x30: {  	s29 =	simm.s32 $0x9;
	_ =	strace $0x8000004B  }
0x31: {  	_ =	swait.ge [sflag:s29], $0x1  }
0x32: {  	[sflag:s29] =	ssyncadd.s32 $0xFFFFFFFF  }
0x33: {  	_ =	strace $0x9000004B  }
0x34: {  	_ =	sfence  }
0x35: {  	s30 =	sld [smem:$0x0];
	_ =	sdelay $0x2  }
0x36: {  	s31 =	sshll.u32 s1, $0xD;
	s1 =	sshrl.u32 s1, $0x2  }
0x37: {  	s3 =	sand.u32 $0x4000, s31;
	s1 =	sadd.s32 s1, s30  }
0x38: {  	s0 =	sor.u32 s3, s0;
	s1 =	sshll.u32 s1, $0x11  }
0x39: {  	s0 =	sor.u32 s1, s0  }
0x3a: {  	s0 =	sadd.s32 $0x8F2B, s0  }
0x3b: {  	[sflag:s0] =	ssyncadd.remote.s32 $0x1  }
0x3c: {  	_ =	sfence.sel $0xFFFF  }
0x3d: {  	[dreg:$0x0] =	wrdreg $0xFFFFFFFF;
	(pc) =	sbr.abs _section_cstart, $3  }
0x3e: {  	[dreg:$0x1] =	wrdreg $0xFFFFFFFF  }
0x3f: {  	_ =	task.clear_ibuf [dreg:s7], $0x2FFFF;
	_ =	strace $0x9FFFFFFF  }
0x40: {  	(tm) =	ssettm $0x7FFFFFFF  }
0x41: {  	_ =	shalt  }
tec
execute0_lowered:
.L_overlay_start_1:
0x0: {  	(tag) =	ssettag $0x1  }
0x1: {  	s0 =	stileid.u32  }
0x2: {  	s1 =	srdreg.scid;
	s7 =	rddreg [dreg:$0x0]  }
0x3: {  	s31 =	simm.s32 $0x2;
	s18 =	simm.s32 $0x0;
	s10 =	simm.s32 $0x800  }
0x4: {  	s11 =	simm.s32 $0x4000;
	s12 =	simm.s32 $0x0;
	s19 =	simm.s32 $0x0  }
0x5: {  	s20 =	simm.s32 $0x0;
	s2 =	sshll.u32 s0, $0x7;
	s1 =	sshll.u32 s1, $0xB  }
0x6: {  	s13 =	simm.s32 $0x0;
	s14 =	simm.s32 $0x0;
	s1 =	sor.u32 s2, s1  }
0x7: {  	s16 =	simm.s32 $0x0;
	s4 =	sshll.u32 s0, $0x3;
	s3 =	sand.u32 $0xE00, s1  }
0x8: {  	s17 =	simm.s32 $0x0;
	s4 =	sand.u32 $0x18, s4;
	s5 =	ssub.s32 $0x1000, s3  }
0x9: {  	s2 =	rddreg [dreg:$0x1];
	s8 =	ssub.s32 $0x808, s4;
	s6 =	sand.u32 $0xE00, s5  }
0xa: {  	s8 =	sshrl.u32 s8, $0x5;
	p0 =	sne.s32 s6, $0x0;
	s6 =	simm.s32 $0x1  }
.Ltmp0:
0xb: {  	s9 =	sshrl.u32 s5, $0xC;
	s6 =	simm.s32 @!p0 $0x0;
	(pc) =	sbr.rel .LBB1_1-.Ltmp0, $4  }
0xc: {  	s1 =	rddreg [dreg:$0x2];
	s8 =	sadd.s32 $0x1, s8;
	s6 =	sadd.s32 s6, s9  }
0xd: {  	_ =	strace $0x8000004A;
	s5 =	simm.s32 $0x1;
	s6 =	smul.u32 s8, s6  }
0xe: {  	s7 =	sadd.s32 $0x40D600, s7;
	s15 =	smov.u32 s4;
	[sflag:s5] =	ssyncpa.u1 $0x0  }
0xf: {  	[sflag:s31] =	ssyncpa.u1 $0x0;
	s8 =	sshll.u32 s3, $0x3;
	s9 =	sadd.s32 $0x1, s6  }
.LBB1_7:
0x10: {  	p0 =	slt.u32 s17, $0x2  }
0x11: {  	p1 =	sgt.s32 @!p0 s18, $0x801  }
0x12: {  	s20 =	smov.u32 s18;
	s21 =	sshra.s32 @!p0 s18, $0x1F;
	p1 =	por !p1, p0  }
0x13: {  	s18 =	sand.u32 @!p0 s21, s18;
	s21 =	ssub.s32 @!p0 $0x0, s19;
	s20 =	simm.s32 @p1 $0x801  }
0x14: {  	s19 =	smin.u32 @!p0 s19, s21;
	s18 =	ssub.s32 @!p0 s20, s18  }
0x15: {  	s22 =	smov.u32 s16;
	p2 =	sgt.s32 @!p0 s19, $0x3;
	s20 =	sadd.s32 @!p0 $0xFFFFF7FF, s18  }
0x16: {  	s19 =	sshll.u32 @!p0 s19, $0x9;
	s18 =	ssub.s32 @!p0 $0x809, s18;
	p1 =	sgt.s32 @!p0 s20, $0x7  }
0x17: {  	s19 =	ssub.s32 @!p0 $0x800, s19;
	p2 =	por !p2, p0;
	p1 =	por !p1, p0  }
0x18: {  	s21 =	sadd.s32 $0x20, s15;
	s19 =	simm.s32 @!p2 $0x0;
	s18 =	simm.s32 @!p1 $0x0  }
0x19: {  	p1 =	sgt.s32 s21, $0x808;
	s18 =	smul.u32 @!p0 s18, s19;
	s19 =	sadd.s32 $0x4, s16  }
0x1a: {  	s22 =	smov.u32 @p1 s19  }
0x1b: {  	s21 =	smov.u32 @p1 s4;
	p1 =	sgt.s32 s22, $0x3  }
0x1c: {  	s12 =	sadd.s32 $0x4000, s12;
	s22 =	simm.s32 @p1 $0x0;
	p1 =	sne.s32 s17, s9  }
.Ltmp1:
0x1d: {  	s20 =	simm.s32 @!p0 $0x2;
	s18 =	sand.u32 @!p0 $0x3FFFFE00, s18;
	(pc) =	sbr.rel @!p1 .LBB1_8-.Ltmp1, $4  }
0x1e: {  	s19 =	smov.u32 s14;
	s14 =	smov.u32 s16;
	_ =	swait.ge @!p0 [sflag:s20], s18  }
0x1f: {  	s23 =	ssub.s32 @!p0 $0x0, s18;
	s18 =	smov.u32 s13;
	s17 =	sadd.s32 $0x1, s17  }
0x20: {  	s13 =	smov.u32 s15;
	s15 =	smov.u32 s21;
	[sflag:s20] =	ssyncset.done @!p0 $0x0  }
0x21: {  	s16 =	smov.u32 s22;
	[sflag:s20] =	ssyncadd.s32 @!p0 s23;
	s20 =	smov.u32 s3  }
.LBB1_1:
0x22: {  	p0 =	sge.u32 s17, s6  }
0x23: {  	s21 =	sshll.u32 @!p0 s15, $0xC  }
0x24: {  	s21 =	sand.u32 @!p0 $0xFFFF8000, s21  }
0x25: {  	s21 =	sor.u32 @!p0 s8, s21  }
0x26: {  	s21 =	sshrl.u32 @!p0 s21, $0xC  }
0x27: {  	s22 =	smulhi.u32 @!p0 $0x1FC080, s21;
	_ =	sdelay $0x1  }
0x28: {  	s22 =	smul.u32 @!p0 $0x810, s22  }
0x29: {  	s31 =	sadd.s32 $0xFFFFFFFF, s17;
	s23 =	smul.u32 @!p0 $0x102000, s16  }
0x2a: {  	s24 =	sxor.u32 @!p0 $0xFFFFFFFF, s17;
	s21 =	ssub.s32 @!p0 s21, s22;
	s22 =	sshll.u32 @!p0 s15, $0x4  }
0x2b: {  	s24 =	sshll.u32 @!p0 s24, $0xE;
	s23 =	sadd.s32 @!p0 s7, s23;
	s22 =	sand.u32 @!p0 $0x70, s22  }
0x2c: {  	s24 =	sand.u32 @!p0 $0x4000, s24;
	s21 =	sshll.u32 @!p0 s21, $0x9;
	s22 =	sadd.s32 @!p0 s22, s23  }
0x2d: {  	s23 =	simm.s32 @!p0 $0x810000;
	s21 =	sadd.s32 @!p0 s21, s22;
	s22 =	simm.s32 @!p0 $0x1000  }
0x2e: {  	[tilespmem:s24], [sflag:$0x1] =	stream.strided.gather @!p0 [hbm4b:s21+s22], $0x4000, s23, s22, $0x38;
	[tilespmem:$0x10000] =	vst v63  }
0x2f: {  	p0 =	sge.u32 s31, s6  }
.Ltmp2:
0x30: {  	_ = 	snop;
	(pc) =	sbr.rel @p0 .LBB1_7-.Ltmp2, $1  }
0x31: {  	_ =	sdelay $0x3  }
0x32: {  	s21 =	sand.u32 $0x4000, s12;
	_ =	swait.ge [sflag:s5], $0x4000  }
0x33: {  	s24 =	sshll.u32 s17, $0xE;
	s25 =	simm.s32 $0x0;
	s26 =	simm.s32 $0x0  }
0x34: {  	s22 =	sor.u32 $0x8400, s21;
	[sflag:s5] =	ssyncset.done $0x0;
	s24 =	sand.u32 $0x4000, s24  }
0x35: {  	s23 =	sor.u32 $0x810, s21;
	[sflag:s5] =	ssyncadd.s32 $0xFFFFC000;
	s21 =	sor.u32 $0x8000, s24  }
.LBB1_3:
0x36: {  	v4 =	vld [tilespmem:s23+$0xFFFFF7F0]  }
0x37: {  	v5 =	vld [tilespmem:s23+$0xFFFFF800]  }
0x38: {  	s27 =	sshll.u32 s26, $0xC;
	v6 =	vld [tilespmem:s23+$0xFFFFF810]  }
0x39: {  	v0 =	vmov s27  }
0x3a: {  	v7 =	vld [tilespmem:s23+$0xFFFFF820]  }
0x3b: {  	s27 =	sand.u32 $0x200, s25;
	[tilespmem:s22+$0xFFFFFC00] =	vst v4;
	v4 =	vld [tilespmem:s23+$0xFFFFF860]  }
0x3c: {  	s28 =	sand.u32 $0x180, s25;
	s27 =	sadd.s32 s27, s24;
	[tilespmem:s22+$0xFFFFFC10] =	vst v5;
	v5 =	vld [tilespmem:s23+$0xFFFFFC00]  }
0x3d: {  	s27 =	sadd.s32 s28, s27;
	[tilespmem:s22+$0xFFFFFC20] =	vst v6;
	v6 =	vld [tilespmem:s23+$0xFFFFFC10]  }
0x3e: {  	v1 =	vld.idx.msk [tilespmem:v0+s27+$0xC00 ss:$0x1], $0xffff  }
0x3f: {  	v2 =	vld.idx.msk [tilespmem:v0+s27+$0x400 ss:$0x1], $0xffff  }
0x40: {  	[tilespmem:s22+$0xFFFFFC30] =	vst v7;
	v3 =	vld.idx.msk [tilespmem:v0+s27+$0x800 ss:$0x1], $0xffff  }
0x41: {  	v7 =	vld [tilespmem:s23+$0x40];
	[tilespmem:s22+$0xFFFFFC70] =	vst v4  }
0x42: {  	v4 =	vld [tilespmem:s23+$0xFFFFFC50];
	[tilespmem:s22+$0xFFFFFE10] =	vst v5  }
0x43: {  	[tilespmem:s22+$0x200] =	vst v1;
	v1 =	vld [tilespmem:s23+$0xFFFFF830]  }
0x44: {  	[tilespmem:s22+$0xFFFFFE00] =	vst v2;
	v2 =	vld [tilespmem:s23+$0xFFFFF840]  }
0x45: {  	[tilespmem:s22+$0x0] =	vst v3;
	v3 =	vld [tilespmem:s23+$0xFFFFF850]  }
0x46: {  	v5 =	vld [tilespmem:s23+$0xFFFFFC60];
	[tilespmem:s22+$0xFFFFFE20] =	vst v6  }
0x47: {  	v6 =	vld [tilespmem:s23+$0x0];
	[tilespmem:s22+$0x50] =	vst v7  }
0x48: {  	[tilespmem:s22+$0xFFFFFC40] =	vst v1;
	v1 =	vld [tilespmem:s23+$0xFFFFFC20]  }
0x49: {  	[tilespmem:s22+$0xFFFFFC50] =	vst v2;
	v2 =	vld [tilespmem:s23+$0xFFFFFC30]  }
0x4a: {  	[tilespmem:s22+$0xFFFFFC60] =	vst v3;
	v3 =	vld [tilespmem:s23+$0xFFFFFC40]  }
0x4b: {  	[tilespmem:s22+$0xFFFFFE70] =	vst v5;
	v5 =	vld [tilespmem:s23+$0x50]  }
0x4c: {  	[tilespmem:s22+$0x10] =	vst v6;
	v6 =	vld [tilespmem:s23+$0x60]  }
0x4d: {  	[tilespmem:s22+$0xFFFFFE30] =	vst v1;
	v1 =	vld [tilespmem:s23+$0x10]  }
0x4e: {  	[tilespmem:s22+$0xFFFFFE40] =	vst v2;
	v2 =	vld [tilespmem:s23+$0x20]  }
0x4f: {  	[tilespmem:s22+$0xFFFFFE50] =	vst v3;
	v3 =	vld [tilespmem:s23+$0x30]  }
0x50: {  	[tilespmem:s22+$0xFFFFFE60] =	vst v4;
	v4 =	vld [tilespmem:s23+$0x400]  }
0x51: {  	[tilespmem:s22+$0x60] =	vst v5;
	v5 =	vld [tilespmem:s23+$0x440]  }
0x52: {  	[tilespmem:s22+$0x20] =	vst v1;
	v1 =	vld [tilespmem:s23+$0x410]  }
0x53: {  	s30 =	simm.s32 $0x80;
	s29 =	simm.s32 $0x100;
	[tilespmem:s22+$0x30] =	vst v2;
	v2 =	vld [tilespmem:s23+$0x420]  }
0x54: {  	s31 =	sand.u32 $0x200, s30;
	s28 =	smov.u32 s23;
	s27 =	smov.u32 s22;
	[tilespmem:s22+$0x40] =	vst v3;
	v3 =	vld [tilespmem:s23+$0x430]  }
.LBB1_4:
0x55: {  	p0 =	sne.s32 s29, $0x380;
	s30 =	sand.u32 $0x180, s30;
	s31 =	sadd.s32 s31, s24;
	[tilespmem:s27+$0x70] =	vst v6;
	v6 =	vld [tilespmem:s28+$0x450]  }
0x56: {  	s31 =	sadd.s32 s30, s31;
	[tilespmem:s27+$0x210] =	vst v4;
	v4 =	vld [tilespmem:s28+$0x460];
	s30 =	smov.u32 s29  }
0x57: {  	v7 =	vld.idx.msk [tilespmem:v0+s31+$0xC00 ss:$0x1], $0xffff;
	[tilespmem:s27+$0x220] =	vst v1  }
0x58: {  	v1 =	vld.idx.msk [tilespmem:v0+s31+$0x400 ss:$0x1], $0xffff;
	[tilespmem:s27+$0x230] =	vst v2  }
0x59: {  	s28 =	sadd.s32 $0x80, s28;
	v2 =	vld.idx.msk [tilespmem:v0+s31+$0x800 ss:$0x1], $0xffff;
	[tilespmem:s27+$0x240] =	vst v3  }
0x5a: {  	v3 =	vld [tilespmem:s28+$0xFFFFF7F0];
	[tilespmem:s27+$0x250] =	vst v5  }
0x5b: {  	v5 =	vld [tilespmem:s28+$0xFFFFF800];
	[tilespmem:s27+$0x260] =	vst v6  }
0x5c: {  	v6 =	vld [tilespmem:s28+$0xFFFFF810];
	[tilespmem:s27+$0x270] =	vst v4;
	s27 =	sadd.s32 $0x800, s27  }
0x5d: {  	v4 =	vld [tilespmem:s28+$0xFFFFF820];
	[tilespmem:s27+$0x200] =	vst v7  }
0x5e: {  	v7 =	vld [tilespmem:s28+$0xFFFFF830];
	[tilespmem:s27+$0xFFFFFE00] =	vst v1  }
0x5f: {  	v1 =	vld [tilespmem:s28+$0xFFFFF840];
	[tilespmem:s27+$0x0] =	vst v2  }
0x60: {  	[tilespmem:s27+$0xFFFFFC00] =	vst v3;
	v2 =	vld [tilespmem:s28+$0xFFFFF850]  }
0x61: {  	[tilespmem:s27+$0xFFFFFC10] =	vst v5;
	v3 =	vld [tilespmem:s28+$0xFFFFF860]  }
0x62: {  	[tilespmem:s27+$0xFFFFFC20] =	vst v6;
	v5 =	vld [tilespmem:s28+$0xFFFFFC00]  }
0x63: {  	[tilespmem:s27+$0xFFFFFC30] =	vst v4;
	v4 =	vld [tilespmem:s28+$0xFFFFFC10]  }
0x64: {  	[tilespmem:s27+$0xFFFFFC40] =	vst v7;
	v6 =	vld [tilespmem:s28+$0xFFFFFC20]  }
0x65: {  	[tilespmem:s27+$0xFFFFFC50] =	vst v1;
	v1 =	vld [tilespmem:s28+$0xFFFFFC30]  }
0x66: {  	[tilespmem:s27+$0xFFFFFC60] =	vst v2;
	v2 =	vld [tilespmem:s28+$0xFFFFFC40]  }
0x67: {  	[tilespmem:s27+$0xFFFFFC70] =	vst v3;
	v3 =	vld [tilespmem:s28+$0xFFFFFC50]  }
0x68: {  	[tilespmem:s27+$0xFFFFFE10] =	vst v5;
	v5 =	vld [tilespmem:s28+$0xFFFFFC60]  }
0x69: {  	[tilespmem:s27+$0xFFFFFE20] =	vst v4;
	v4 =	vld [tilespmem:s28+$0x0]  }
0x6a: {  	[tilespmem:s27+$0xFFFFFE30] =	vst v6;
	v7 =	vld [tilespmem:s28+$0x10]  }
0x6b: {  	[tilespmem:s27+$0xFFFFFE40] =	vst v1;
	v1 =	vld [tilespmem:s28+$0x20]  }
0x6c: {  	[tilespmem:s27+$0xFFFFFE50] =	vst v2;
	v2 =	vld [tilespmem:s28+$0x30]  }
0x6d: {  	[tilespmem:s27+$0xFFFFFE60] =	vst v3;
	v3 =	vld [tilespmem:s28+$0x40]  }
0x6e: {  	[tilespmem:s27+$0xFFFFFE70] =	vst v5;
	v5 =	vld [tilespmem:s28+$0x50]  }
0x6f: {  	[tilespmem:s27+$0x10] =	vst v4;
	v6 =	vld [tilespmem:s28+$0x60]  }
.Ltmp3:
0x70: {  	[tilespmem:s27+$0x20] =	vst v7;
	v4 =	vld [tilespmem:s28+$0x400];
	(pc) =	sbr.rel @p0 .LBB1_4-.Ltmp3, $4  }
0x71: {  	[tilespmem:s27+$0x30] =	vst v1;
	v1 =	vld [tilespmem:s28+$0x410]  }
0x72: {  	[tilespmem:s27+$0x40] =	vst v2;
	v2 =	vld [tilespmem:s28+$0x420]  }
0x73: {  	[tilespmem:s27+$0x50] =	vst v3;
	v3 =	vld [tilespmem:s28+$0x430]  }
0x74: {  	s29 =	sadd.s32 $0x80, s29;
	s31 =	sand.u32 $0x200, s30;
	[tilespmem:s27+$0x60] =	vst v5;
	v5 =	vld [tilespmem:s28+$0x440]  }
0x75: {  	[tilespmem:s27+$0x70] =	vst v6  }
0x76: {  	v30 =	vld [tilespmem:s28+$0x450];
	[tilespmem:s27+$0x210] =	vst v4  }
0x77: {  	s29 =	sand.u32 $0x180, s30;
	v31 =	vld [tilespmem:s28+$0x460];
	s30 =	sadd.s32 $0x80, s28;
	[tilespmem:s27+$0x220] =	vst v1  }
0x78: {  	v35 =	vld [tilespmem:s30+$0xFFFFF7F0];
	[tilespmem:s27+$0x230] =	vst v2  }
0x79: {  	v36 =	vld [tilespmem:s30+$0xFFFFF800];
	[tilespmem:s27+$0x240] =	vst v3  }
0x7a: {  	v37 =	vld [tilespmem:s30+$0xFFFFF810];
	[tilespmem:s27+$0x250] =	vst v5  }
0x7b: {  	s31 =	sadd.s32 s31, s24;
	v38 =	vld [tilespmem:s30+$0xFFFFF820];
	[tilespmem:s27+$0x260] =	vst v30  }
0x7c: {  	s29 =	sadd.s32 s29, s31;
	s31 =	sadd.s32 $0x800, s27;
	v39 =	vld [tilespmem:s30+$0xFFFFF830];
	[tilespmem:s27+$0x270] =	vst v31  }
0x7d: {  	v40 =	vld [tilespmem:s30+$0xFFFFF840];
	[tilespmem:s31+$0xFFFFFC00] =	vst v35  }
0x7e: {  	v41 =	vld [tilespmem:s30+$0xFFFFF850];
	[tilespmem:s31+$0xFFFFFC10] =	vst v36  }
0x7f: {  	v42 =	vld [tilespmem:s30+$0xFFFFF860];
	[tilespmem:s31+$0xFFFFFC20] =	vst v37  }
0x80: {  	v43 =	vld [tilespmem:s30+$0xFFFFFC00];
	[tilespmem:s31+$0xFFFFFC30] =	vst v38  }
0x81: {  	v44 =	vld [tilespmem:s30+$0xFFFFFC10];
	[tilespmem:s31+$0xFFFFFC40] =	vst v39  }
0x82: {  	v45 =	vld [tilespmem:s30+$0xFFFFFC20];
	[tilespmem:s31+$0xFFFFFC50] =	vst v40  }
0x83: {  	v46 =	vld [tilespmem:s30+$0xFFFFFC30];
	[tilespmem:s31+$0xFFFFFC60] =	vst v41  }
0x84: {  	v47 =	vld [tilespmem:s30+$0xFFFFFC40];
	[tilespmem:s31+$0xFFFFFC70] =	vst v42  }
0x85: {  	v48 =	vld [tilespmem:s30+$0xFFFFFC50];
	[tilespmem:s31+$0xFFFFFE10] =	vst v43  }
0x86: {  	v49 =	vld [tilespmem:s30+$0xFFFFFC60];
	[tilespmem:s31+$0xFFFFFE20] =	vst v44  }
0x87: {  	v50 =	vld [tilespmem:s30+$0x0];
	[tilespmem:s31+$0xFFFFFE30] =	vst v45  }
0x88: {  	v51 =	vld [tilespmem:s30+$0x10];
	[tilespmem:s31+$0xFFFFFE40] =	vst v46  }
0x89: {  	v52 =	vld [tilespmem:s30+$0x20];
	[tilespmem:s31+$0xFFFFFE50] =	vst v47  }
0x8a: {  	v53 =	vld [tilespmem:s30+$0x30];
	[tilespmem:s31+$0xFFFFFE60] =	vst v48  }
0x8b: {  	v54 =	vld [tilespmem:s30+$0x40];
	[tilespmem:s31+$0xFFFFFE70] =	vst v49  }
0x8c: {  	v55 =	vld [tilespmem:s30+$0x50];
	[tilespmem:s31+$0x10] =	vst v50  }
0x8d: {  	v56 =	vld [tilespmem:s30+$0x60];
	[tilespmem:s31+$0x20] =	vst v51  }
0x8e: {  	v57 =	vld [tilespmem:s30+$0x400];
	[tilespmem:s31+$0x30] =	vst v52  }
0x8f: {  	v58 =	vld [tilespmem:s30+$0x410];
	[tilespmem:s31+$0x40] =	vst v53  }
0x90: {  	v59 =	vld [tilespmem:s30+$0x420];
	[tilespmem:s31+$0x50] =	vst v54  }
0x91: {  	v60 =	vld [tilespmem:s30+$0x430];
	[tilespmem:s31+$0x60] =	vst v55  }
0x92: {  	v61 =	vld [tilespmem:s30+$0x440];
	[tilespmem:s31+$0x70] =	vst v56  }
0x93: {  	v62 =	vld [tilespmem:s30+$0x450];
	[tilespmem:s31+$0x210] =	vst v57  }
0x94: {  	v63 =	vld [tilespmem:s30+$0x460];
	[tilespmem:s31+$0x220] =	vst v58  }
0x95: {  	v32 =	vld.idx.msk [tilespmem:v0+s29+$0xC00 ss:$0x1], $0xffff;
	[tilespmem:s31+$0x230] =	vst v59  }
0x96: {  	s26 =	sadd.s32 $0x1, s26;
	v33 =	vld.idx.msk [tilespmem:v0+s29+$0x400 ss:$0x1], $0xffff;
	[tilespmem:s31+$0x240] =	vst v60  }
0x97: {  	p0 =	sne.s32 s26, $0x4;
	v34 =	vld.idx.msk [tilespmem:v0+s29+$0x800 ss:$0x1], $0xffff;
	[tilespmem:s31+$0x250] =	vst v61  }
.Ltmp4:
0x98: {  	[tilespmem:s31+$0x260] =	vst v62;
	(pc) =	sbr.rel @p0 .LBB1_3-.Ltmp4, $4  }
0x99: {  	[tilespmem:s31+$0x270] =	vst v63  }
0x9a: {  	[tilespmem:s31+$0x200] =	vst v32  }
0x9b: {  	[tilespmem:s31+$0xFFFFFE00] =	vst v33  }
0x9c: {  	s22 =	sadd.s32 $0x80, s22;
	s23 =	sadd.s32 $0x1000, s23;
	[tilespmem:s31+$0x0] =	vst v34  }
0x9d: {  	s22 =	sshll.u32 s20, $0x2;
	s23 =	sshll.u32 s14, $0x7;
	p0 =	sgt.s32 s13, $0x801  }
0x9e: {  	s24 =	smov.u32 s13;
	s25 =	sshra.s32 s13, $0x1F;
	s26 =	ssub.s32 $0x0, s14  }
0x9f: {  	s29 =	sshll.u32 s13, $0xB;
	s24 =	simm.s32 @!p0 $0x801;
	s25 =	sand.u32 s25, s13  }
0xa0: {  	s23 =	sand.u32 $0x180, s23;
	s22 =	sand.u32 $0x800, s22;
	s24 =	ssub.s32 s24, s25  }
0xa1: {  	s22 =	sor.u32 s23, s22;
	s25 =	smin.u32 s14, s26;
	s27 =	sadd.s32 $0xFFFFF7FF, s24  }
0xa2: {  	s23 =	ssub.s32 $0x809, s24;
	s28 =	sshll.u32 s25, $0x9;
	p0 =	sgt.s32 s27, $0x7  }
0xa3: {  	s24 =	ssub.s32 $0x800, s28;
	s23 =	simm.s32 @p0 $0x0;
	p0 =	sgt.s32 s25, $0x3  }
.Ltmp5:
0xa4: {  	s30 =	sshrl.u32 s20, $0x1;
	s24 =	simm.s32 @p0 $0x0;
	(pc) =	sbr.rel .LBB1_7-.Ltmp5, $4  }
0xa5: {  	s20 =	sand.u32 $0x600, s30;
	s31 =	sadd.s32 s2, s29;
	s23 =	smul.u32 s23, s24  }
0xa6: {  	s20 =	sadd.s32 s20, s31;
	s22 =	sshrl.u32 s22, $0x3  }
0xa7: {  	s20 =	sadd.s32 s22, s20;
	s23 =	sand.u32 $0x3FFFFE00, s23  }
0xa8: {  	[hbm4b:s20+s10] =	stream.strided.scatter [tilespmem:s21], [sflag:$0x2], s23, s11, s10, $0x38;
	[tilespmem:$0x10000] =	vst v63  }
.LBB1_8:
0xa9: {  	_ =	sfence.sel $0x180000  }
0xaa: {  	s2 =	simm.s32 $0x1;
	[bflag:$0x0] =	sbarrier.arrive $0xFFFF  }
0xab: {  	s31 =	simm.s32 $0x2;
	[sflag:s2] =	ssyncpa.u1 $0x1  }
0xac: {  	[sflag:s31] =	ssyncpa.u1 $0x1  }
0xad: {  	p0 =	sne.s32 s0, $0x0;
	_ =	strace $0x9000004A  }
0xae: {  	s0 =	sadd.s32 @!p0 $0x100000, s1;
	[bflag:$0x2] =	sbarrier.arrive $0xFFFF  }
0xaf: {  	[sflag:s0] =	ssyncadd.tile.s32 @!p0 $0x1;
	_ =	shalt  }
.Lfunc_end1:
_tile_overlayer_lowered:
.L_overlay_start_2:
0xb0: {  	(tag) =	ssettag $0x2  }
0xb1: {  	s0 =	rddreg [dreg:$0x0];
	s2 =	stileid.u32  }
0xb2: {  	s1 =	rddreg [dreg:$0x1];
	p0 =	sne.s32 s2, $0x0  }
0xb3: {  	s3 =	rddreg [dreg:$0x2];
	[bflag:$0x3] =	sbarrier.arrive $0xFFFF;
	s2 =	simm.s32 @!p0 $0x1C01  }
0xb4: {  	[timem:s3], [sflag:s2] =	dma.local @!p0 [hbm:s0], s1  }
0xb5: {  	s0 =	simm.s32 @!p0 $0x1  }
0xb6: {  	_ =	swait.ge @!p0 [sflag:s0], s1  }
0xb7: {  	s1 =	ssub.s32 @!p0 $0x0, s1;
	[sflag:s0] =	ssyncset.done @!p0 $0x0  }
0xb8: {  	[sflag:s0] =	ssyncadd.s32 @!p0 s1  }
0xb9: {  	[bflag:$0x3] =	sbarrier.arrive $0xFFFF  }
0xba: {  	_ =	shalt  }

</sc_bundles>
